<compile_context>
chip_gen: v7x
topology: tpu7x:2x2x1
jax: 0.10.2.dev20260603
libtpu: 0.0.44.dev20260713+nightly
codegen_flags: <defaults>
</compile_context>

<pallas_src>
import functools

import jax
import jax.numpy as jnp
from jax import lax
from jax.experimental import pallas as pl
from jax.experimental.pallas import tpu as pltpu
from jax.experimental.pallas import tpu_sc as plsc

N = 10000
E = 320000
HID = 128
CLS = 10

NC = 2
NS = 16
NW = NC * NS
C = 128
CH = 80
EW = C * CH
EWR = E // NW
PADW = EW - EWR
CB = 40
NB = CH // CB
NP = 10240
ROWS_PER_SUB = NP // NS

_sc_mesh = plsc.VectorSubcoreMesh(core_axis_name="c", subcore_axis_name="s")


@functools.partial(
    pl.kernel,
    out_type=jax.ShapeDtypeStruct((NC, NP, HID), jnp.float32),
    mesh=_sc_mesh,
    scratch_types=[
        pltpu.VMEM((CB, C), jnp.int32),
        pltpu.VMEM((CB, C), jnp.int32),
        pltpu.VMEM((C, HID), jnp.float32),
        pltpu.VMEM((C, HID), jnp.float32),
        pltpu.VMEM_SHARED((NP, HID), jnp.float32),
        pltpu.SemaphoreType.DMA,
        pltpu.SemaphoreType.DMA,
    ],
)
def _sc_segment_sum(h_hbm, src_hbm, dst_hbm, zeros_hbm, out_hbm,
                    src_v, dst_v, rows_a, rows_b, acc, sem_a, sem_b):
    cc = lax.axis_index("c")
    ss = lax.axis_index("s")
    wid = cc * NS + ss

    row0 = ss * ROWS_PER_SUB
    pltpu.sync_copy(zeros_hbm.at[pl.ds(row0, ROWS_PER_SUB)],
                    acc.at[pl.ds(row0, ROWS_PER_SUB)])

    plsc.subcore_barrier()

    def blk(b, carry):
        pltpu.sync_copy(src_hbm.at[wid, pl.ds(b * CB, CB)], src_v)
        pltpu.sync_copy(dst_hbm.at[wid, pl.ds(b * CB, CB)], dst_v)

        def pair(k, carry2):
            j0 = 2 * k
            cp_a = pltpu.async_copy(h_hbm.at[src_v.at[j0]], rows_a, sem_a)
            cp_b = pltpu.async_copy(h_hbm.at[src_v.at[j0 + 1]], rows_b, sem_b)
            cp_a.wait()
            pltpu.sync_copy(rows_a, acc.at[dst_v.at[j0]], add=True)
            cp_b.wait()
            pltpu.sync_copy(rows_b, acc.at[dst_v.at[j0 + 1]], add=True)
            return carry2

        return lax.fori_loop(0, CB // 2, pair, carry)

    lax.fori_loop(0, NB, blk, 0)

    plsc.subcore_barrier()

    pltpu.sync_copy(acc.at[pl.ds(row0, ROWS_PER_SUB)],
                    out_hbm.at[cc, pl.ds(row0, ROWS_PER_SUB)])


def _tc_layer_body(h_ref, parts_ref, eps_ref,
                   w1_ref, b1_ref, g1_ref, be1_ref,
                   w2_ref, b2_ref, g2_ref, be2_ref, out_ref):
    z = h_ref[...] * eps_ref[0, 0] + parts_ref[0, :N] + parts_ref[1, :N]
    y = jnp.dot(z, w1_ref[...], preferred_element_type=jnp.float32) + b1_ref[...]
    mu = jnp.mean(y, axis=0, keepdims=True)
    var = jnp.mean((y - mu) ** 2, axis=0, keepdims=True)
    y = g1_ref[...] * (y - mu) / jnp.sqrt(var + 1e-5) + be1_ref[...]
    y = jnp.maximum(y, 0.0)
    y = jnp.dot(y, w2_ref[...], preferred_element_type=jnp.float32) + b2_ref[...]
    mu = jnp.mean(y, axis=0, keepdims=True)
    var = jnp.mean((y - mu) ** 2, axis=0, keepdims=True)
    y = g2_ref[...] * (y - mu) / jnp.sqrt(var + 1e-5) + be2_ref[...]
    out_ref[...] = jnp.maximum(y, 0.0)


_tc_layer = pl.pallas_call(
    _tc_layer_body,
    out_shape=jax.ShapeDtypeStruct((N, HID), jnp.float32),
    in_specs=[
        pl.BlockSpec(memory_space=pltpu.VMEM),
        pl.BlockSpec(memory_space=pltpu.VMEM),
        pl.BlockSpec(memory_space=pltpu.SMEM),
        pl.BlockSpec(memory_space=pltpu.VMEM),
        pl.BlockSpec(memory_space=pltpu.VMEM),
        pl.BlockSpec(memory_space=pltpu.VMEM),
        pl.BlockSpec(memory_space=pltpu.VMEM),
        pl.BlockSpec(memory_space=pltpu.VMEM),
        pl.BlockSpec(memory_space=pltpu.VMEM),
        pl.BlockSpec(memory_space=pltpu.VMEM),
        pl.BlockSpec(memory_space=pltpu.VMEM),
    ],
    out_specs=pl.BlockSpec(memory_space=pltpu.VMEM),
)


def _tc_final_body(h_ref, parts_ref, eps_ref,
                   w1_ref, b1_ref, g1_ref, be1_ref,
                   w2_ref, b2_ref, g2_ref, be2_ref,
                   l1w_ref, l1b_ref, l2w_ref, l2b_ref, out_ref):
    z = h_ref[...] * eps_ref[0, 0] + parts_ref[0, :N] + parts_ref[1, :N]
    y = jnp.dot(z, w1_ref[...], preferred_element_type=jnp.float32) + b1_ref[...]
    mu = jnp.mean(y, axis=0, keepdims=True)
    var = jnp.mean((y - mu) ** 2, axis=0, keepdims=True)
    y = g1_ref[...] * (y - mu) / jnp.sqrt(var + 1e-5) + be1_ref[...]
    y = jnp.maximum(y, 0.0)
    y = jnp.dot(y, w2_ref[...], preferred_element_type=jnp.float32) + b2_ref[...]
    mu = jnp.mean(y, axis=0, keepdims=True)
    var = jnp.mean((y - mu) ** 2, axis=0, keepdims=True)
    y = g2_ref[...] * (y - mu) / jnp.sqrt(var + 1e-5) + be2_ref[...]
    y = jnp.maximum(y, 0.0)
    y = jnp.dot(y, l1w_ref[...], preferred_element_type=jnp.float32)
    y = jnp.maximum(y + l1b_ref[...], 0.0)
    zz = jnp.dot(y, l2w_ref[...], preferred_element_type=jnp.float32) + l2b_ref[...]
    m = jnp.max(zz, axis=-1, keepdims=True)
    lse = jnp.log(jnp.sum(jnp.exp(zz - m), axis=-1, keepdims=True)) + m
    out_ref[...] = zz - lse


_tc_final = pl.pallas_call(
    _tc_final_body,
    out_shape=jax.ShapeDtypeStruct((N, CLS), jnp.float32),
    in_specs=[
        pl.BlockSpec(memory_space=pltpu.VMEM),
        pl.BlockSpec(memory_space=pltpu.VMEM),
        pl.BlockSpec(memory_space=pltpu.SMEM),
    ] + [pl.BlockSpec(memory_space=pltpu.VMEM)] * 12,
    out_specs=pl.BlockSpec(memory_space=pltpu.VMEM),
)


def kernel(x, edge_index, batch, params):
    ei = edge_index.astype(jnp.int32)
    w = jnp.arange(NW, dtype=jnp.int32)[:, None]
    k = jnp.arange(PADW, dtype=jnp.int32)[None, :]
    pad_src = (w * 331 + k * 13) % N
    pad_dst = N + w * 7 + (k % 7)
    src = jnp.concatenate([ei[0].reshape(NW, EWR), pad_src], axis=1).reshape(NW, CH, C)
    dst = jnp.concatenate([ei[1].reshape(NW, EWR), pad_dst], axis=1).reshape(NW, CH, C)
    zeros = jnp.zeros((NP, HID), jnp.float32)

    h = x
    for i in range(2):
        parts = _sc_segment_sum(h, src, dst, zeros)
        eps1 = (1.0 + params[f"eps_{i}"]).astype(jnp.float32).reshape(1, 1)
        h = _tc_layer(
            h, parts, eps1,
            params[f"W1_{i}"], params[f"b1_{i}"].reshape(1, HID),
            params[f"g1_{i}"].reshape(1, HID), params[f"be1_{i}"].reshape(1, HID),
            params[f"W2_{i}"], params[f"b2_{i}"].reshape(1, HID),
            params[f"g2_{i}"].reshape(1, HID), params[f"be2_{i}"].reshape(1, HID),
        )
    parts = _sc_segment_sum(h, src, dst, zeros)
    eps1 = (1.0 + params["eps_2"]).astype(jnp.float32).reshape(1, 1)
    return _tc_final(
        h, parts, eps1,
        params["W1_2"], params["b1_2"].reshape(1, HID),
        params["g1_2"].reshape(1, HID), params["be1_2"].reshape(1, HID),
        params["W2_2"], params["b2_2"].reshape(1, HID),
        params["g2_2"].reshape(1, HID), params["be2_2"].reshape(1, HID),
        params["lin1_W"], params["lin1_b"].reshape(1, HID),
        params["lin2_W"], params["lin2_b"].reshape(1, CLS))

# --- scband reference (transcript-rebuilt; emitter-appended) ---
"""Pipeline reference for scband-gin-65171833750208 (READ-ONLY COPY).

The authoritative reference and input builder live on the scoring server;
editing this copy changes nothing except your own understanding.
"""

import jax, jax.numpy as jnp
import numpy as np

N = 10000
E = 320000
F_IN = 128
HID = 128
POST = 128
CLS = 10
L = 3


def _init_params(key):
    params = {}
    in_dim = F_IN
    idx = 0
    for i in range(L):
        for tag, (a, b) in [("W1", (in_dim, HID)), ("W2", (HID, HID))]:
            k = jax.random.fold_in(key, idx); idx += 1
            params[f"{tag}_{i}"] = (jax.random.normal(k, (a, b), dtype=jnp.float32) / np.sqrt(a)).astype(jnp.float32)
        params[f"b1_{i}"] = jnp.zeros((HID,), jnp.float32)
        params[f"b2_{i}"] = jnp.zeros((HID,), jnp.float32)
        params[f"g1_{i}"] = jnp.ones((HID,), jnp.float32)
        params[f"be1_{i}"] = jnp.zeros((HID,), jnp.float32)
        params[f"g2_{i}"] = jnp.ones((HID,), jnp.float32)
        params[f"be2_{i}"] = jnp.zeros((HID,), jnp.float32)
        params[f"eps_{i}"] = jnp.zeros((), jnp.float32)
        in_dim = HID
    k = jax.random.fold_in(key, idx); idx += 1
    params["lin1_W"] = (jax.random.normal(k, (HID, POST), dtype=jnp.float32) / np.sqrt(HID)).astype(jnp.float32)
    params["lin1_b"] = jnp.zeros((POST,), jnp.float32)
    k = jax.random.fold_in(key, idx); idx += 1
    params["lin2_W"] = (jax.random.normal(k, (POST, CLS), dtype=jnp.float32) / np.sqrt(POST)).astype(jnp.float32)
    params["lin2_b"] = jnp.zeros((CLS,), jnp.float32)
    return params


def setup_inputs(seed: int = 0):
    key = jax.random.key(seed)
    kx, ke, kp = jax.random.split(key, 3)
    x = jax.random.normal(kx, (N, F_IN), dtype=jnp.float32)
    edge_index = jax.random.randint(ke, (2, E), 0, N)
    batch = jnp.zeros((N,), dtype=jnp.int32)
    params = _init_params(kp)
    return {"x": x, "edge_index": edge_index, "batch": batch, "params": params}


def _bn(h, gamma, beta):
    mu = jnp.mean(h, axis=0, keepdims=True)
    var = jnp.var(h, axis=0, keepdims=True)
    return gamma * (h - mu) / jnp.sqrt(var + 1e-5) + beta


def _forward(x, params, src, dst):
    h = x
    for i in range(L):
        agg = jax.ops.segment_sum(h[src], dst, num_segments=N)
        z = (1.0 + params[f"eps_{i}"]) * h + agg
        z = jax.nn.relu(_bn(z @ params[f"W1_{i}"] + params[f"b1_{i}"], params[f"g1_{i}"], params[f"be1_{i}"]))
        z = jax.nn.relu(_bn(z @ params[f"W2_{i}"] + params[f"b2_{i}"], params[f"g2_{i}"], params[f"be2_{i}"]))
        h = jax.nn.relu(z)
    h = jax.nn.relu(h @ params["lin1_W"] + params["lin1_b"])
    h = h @ params["lin2_W"] + params["lin2_b"]
    return jax.nn.log_softmax(h, axis=-1)


def reference(x, edge_index, batch, params):
    src = edge_index[0]
    dst = edge_index[1]
    return _forward(x, params, src, dst)

if __name__ == "__main__":
    import jax
    _d = setup_inputs()
    print(jax.jit(kernel)(*tuple(_d.values())))

</pallas_src>

<mosaic_0001>
#map = affine_map<(d0, d1) -> (0, 0)>
#map1 = affine_map<(d0, d1) -> (0, 0, 0)>
module attributes {stable_mosaic.version = 14 : i64} {
  func.func @_sc_segment_sum(%arg0: i32, %arg1: i32, %arg2: memref<10000x128xf32, #tpu.memory_space<hbm>>, %arg3: memref<32x80x128xi32, #tpu.memory_space<hbm>>, %arg4: memref<32x80x128xi32, #tpu.memory_space<hbm>>, %arg5: memref<10240x128xf32, #tpu.memory_space<hbm>>, %arg6: memref<2x10240x128xf32, #tpu.memory_space<hbm>>, %arg7: memref<40x128xi32, #tpu.memory_space<vmem>>, %arg8: memref<40x128xi32, #tpu.memory_space<vmem>>, %arg9: memref<128x128xf32, #tpu.memory_space<vmem>>, %arg10: memref<128x128xf32, #tpu.memory_space<vmem>>, %arg11: memref<10240x128xf32, #tpu.memory_space<vmem_shared>>, %arg12: memref<!tpu.dma_semaphore, #tpu.memory_space<semaphore_mem>>, %arg13: memref<!tpu.dma_semaphore, #tpu.memory_space<semaphore_mem>>) attributes {dimension_semantics = [#tpu.dimension_semantics<core_parallel>, #tpu.dimension_semantics<subcore_parallel>], iteration_bounds = array<i64: 2, 16>, scalar_prefetch = 0 : i64, scratch_operands = 7 : i64, tpu.core_type = #tpu.core_type<sc_vector_subcore>, window_params = [{transform_indices = #map}, {transform_indices = #map1}, {transform_indices = #map1}, {transform_indices = #map}, {transform_indices = #map1}]} {
    %mul3A = arith.constant 16 : i32
    %mul3A_0 = arith.muli %arg0, %mul3A : i32
    %add3A = arith.addi %mul3A_0, %arg1 : i32
    %mul3A_1 = arith.constant 640 : i32
    %mul3A_2 = arith.muli %arg1, %mul3A_1 : i32
    "tpu.region"() ({
      %run_scoped3A = tpu.sem_alloc : memref<!tpu.dma_semaphore, #tpu.memory_space<semaphore_mem>>
      %dma_start3A = arith.constant 0 : i32
      %dma_start3A_9 = tpu.memref_slice %arg11[%mul3A_2, %dma_start3A] : memref<10240x128xf32, #tpu.memory_space<vmem_shared>> -> memref<640x128xf32, #tpu.memory_space<vmem_shared>>
      %dma_start3A_10 = arith.constant 0 : i32
      %dma_start3A_11 = tpu.memref_slice %arg5[%mul3A_2, %dma_start3A_10] : memref<10240x128xf32, #tpu.memory_space<hbm>> -> memref<640x128xf32, #tpu.memory_space<hbm>>
      tpu.enqueue_dma source(%dma_start3A_11 : memref<640x128xf32, #tpu.memory_space<hbm>>) target(%dma_start3A_9 : memref<640x128xf32, #tpu.memory_space<vmem_shared>>) target_semaphore(%run_scoped3A : memref<!tpu.dma_semaphore, #tpu.memory_space<semaphore_mem>>)
      %dma_wait3A = arith.constant 0 : i32
      %dma_wait3A_12 = tpu.memref_slice %arg11[%mul3A_2, %dma_wait3A] : memref<10240x128xf32, #tpu.memory_space<vmem_shared>> -> memref<640x128xf32, #tpu.memory_space<vmem_shared>>
      %dma_wait3A_13 = arith.constant 0 : i32
      %dma_wait3A_14 = tpu.memref_slice %arg5[%mul3A_2, %dma_wait3A_13] : memref<10240x128xf32, #tpu.memory_space<hbm>> -> memref<640x128xf32, #tpu.memory_space<hbm>>
      tpu.wait_dma2 semaphore(%run_scoped3A : memref<!tpu.dma_semaphore, #tpu.memory_space<semaphore_mem>>) src(%dma_wait3A_14 : memref<640x128xf32, #tpu.memory_space<hbm>>) dst(%dma_wait3A_12 : memref<640x128xf32, #tpu.memory_space<vmem_shared>>)
      tpu.yield
    }) : () -> ()
    %barrier3A = arith.constant 0 : index
    tpu.barrier barrier_id(%barrier3A)
    %scan3A = arith.constant 0 : i32
    %scan3A_3 = arith.constant 0 : i32
    %scan3A_4 = arith.constant 2 : i32
    %scan3A_5 = arith.addi %scan3A_3, %scan3A_4 : i32
    %scan3A_6 = arith.constant 1 : i32
    scf.for %scan3A_9 = %scan3A_3 to %scan3A_5 step %scan3A_6  : i32 {
      %mul3A_10 = arith.constant 40 : i32
      %mul3A_11 = arith.muli %scan3A_9, %mul3A_10 : i32
      "tpu.region"() ({
        %run_scoped3A = tpu.sem_alloc : memref<!tpu.dma_semaphore, #tpu.memory_space<semaphore_mem>>
        %dma_start3A = arith.constant 0 : i32
        %dma_start3A_19 = tpu.memref_slice %arg3[%add3A, %mul3A_11, %dma_start3A] : memref<32x80x128xi32, #tpu.memory_space<hbm>> -> memref<1x40x128xi32, #tpu.memory_space<hbm>>
        %dma_start3A_20 = tpu.memref_squeeze %dma_start3A_19 : memref<1x40x128xi32, #tpu.memory_space<hbm>> -> memref<40x128xi32, #tpu.memory_space<hbm>>
        %dma_start3A_21 = arith.constant 0 : i32
        %dma_start3A_22 = tpu.memref_slice %arg3[%add3A, %mul3A_11, %dma_start3A_21] : memref<32x80x128xi32, #tpu.memory_space<hbm>> -> memref<1x40x128xi32, #tpu.memory_space<hbm>>
        %dma_start3A_23 = tpu.memref_squeeze %dma_start3A_22 : memref<1x40x128xi32, #tpu.memory_space<hbm>> -> memref<40x128xi32, #tpu.memory_space<hbm>>
        tpu.enqueue_dma source(%dma_start3A_23 : memref<40x128xi32, #tpu.memory_space<hbm>>) target(%arg7 : memref<40x128xi32, #tpu.memory_space<vmem>>) target_semaphore(%run_scoped3A : memref<!tpu.dma_semaphore, #tpu.memory_space<semaphore_mem>>)
        %dma_wait3A = arith.constant 0 : i32
        %dma_wait3A_24 = tpu.memref_slice %arg3[%add3A, %mul3A_11, %dma_wait3A] : memref<32x80x128xi32, #tpu.memory_space<hbm>> -> memref<1x40x128xi32, #tpu.memory_space<hbm>>
        %dma_wait3A_25 = tpu.memref_squeeze %dma_wait3A_24 : memref<1x40x128xi32, #tpu.memory_space<hbm>> -> memref<40x128xi32, #tpu.memory_space<hbm>>
        %dma_wait3A_26 = arith.constant 0 : i32
        %dma_wait3A_27 = tpu.memref_slice %arg3[%add3A, %mul3A_11, %dma_wait3A_26] : memref<32x80x128xi32, #tpu.memory_space<hbm>> -> memref<1x40x128xi32, #tpu.memory_space<hbm>>
        %dma_wait3A_28 = tpu.memref_squeeze %dma_wait3A_27 : memref<1x40x128xi32, #tpu.memory_space<hbm>> -> memref<40x128xi32, #tpu.memory_space<hbm>>
        tpu.wait_dma2 semaphore(%run_scoped3A : memref<!tpu.dma_semaphore, #tpu.memory_space<semaphore_mem>>) src(%dma_wait3A_28 : memref<40x128xi32, #tpu.memory_space<hbm>>) dst(%arg7 : memref<40x128xi32, #tpu.memory_space<vmem>>)
        tpu.yield
      }) : () -> ()
      %mul3A_12 = arith.constant 40 : i32
      %mul3A_13 = arith.muli %scan3A_9, %mul3A_12 : i32
      "tpu.region"() ({
        %run_scoped3A = tpu.sem_alloc : memref<!tpu.dma_semaphore, #tpu.memory_space<semaphore_mem>>
        %dma_start3A = arith.constant 0 : i32
        %dma_start3A_19 = tpu.memref_slice %arg4[%add3A, %mul3A_13, %dma_start3A] : memref<32x80x128xi32, #tpu.memory_space<hbm>> -> memref<1x40x128xi32, #tpu.memory_space<hbm>>
        %dma_start3A_20 = tpu.memref_squeeze %dma_start3A_19 : memref<1x40x128xi32, #tpu.memory_space<hbm>> -> memref<40x128xi32, #tpu.memory_space<hbm>>
        %dma_start3A_21 = arith.constant 0 : i32
        %dma_start3A_22 = tpu.memref_slice %arg4[%add3A, %mul3A_13, %dma_start3A_21] : memref<32x80x128xi32, #tpu.memory_space<hbm>> -> memref<1x40x128xi32, #tpu.memory_space<hbm>>
        %dma_start3A_23 = tpu.memref_squeeze %dma_start3A_22 : memref<1x40x128xi32, #tpu.memory_space<hbm>> -> memref<40x128xi32, #tpu.memory_space<hbm>>
        tpu.enqueue_dma source(%dma_start3A_23 : memref<40x128xi32, #tpu.memory_space<hbm>>) target(%arg8 : memref<40x128xi32, #tpu.memory_space<vmem>>) target_semaphore(%run_scoped3A : memref<!tpu.dma_semaphore, #tpu.memory_space<semaphore_mem>>)
        %dma_wait3A = arith.constant 0 : i32
        %dma_wait3A_24 = tpu.memref_slice %arg4[%add3A, %mul3A_13, %dma_wait3A] : memref<32x80x128xi32, #tpu.memory_space<hbm>> -> memref<1x40x128xi32, #tpu.memory_space<hbm>>
        %dma_wait3A_25 = tpu.memref_squeeze %dma_wait3A_24 : memref<1x40x128xi32, #tpu.memory_space<hbm>> -> memref<40x128xi32, #tpu.memory_space<hbm>>
        %dma_wait3A_26 = arith.constant 0 : i32
        %dma_wait3A_27 = tpu.memref_slice %arg4[%add3A, %mul3A_13, %dma_wait3A_26] : memref<32x80x128xi32, #tpu.memory_space<hbm>> -> memref<1x40x128xi32, #tpu.memory_space<hbm>>
        %dma_wait3A_28 = tpu.memref_squeeze %dma_wait3A_27 : memref<1x40x128xi32, #tpu.memory_space<hbm>> -> memref<40x128xi32, #tpu.memory_space<hbm>>
        tpu.wait_dma2 semaphore(%run_scoped3A : memref<!tpu.dma_semaphore, #tpu.memory_space<semaphore_mem>>) src(%dma_wait3A_28 : memref<40x128xi32, #tpu.memory_space<hbm>>) dst(%arg8 : memref<40x128xi32, #tpu.memory_space<vmem>>)
        tpu.yield
      }) : () -> ()
      %scan3A_14 = arith.constant 0 : i32
      %scan3A_15 = arith.constant 20 : i32
      %scan3A_16 = arith.addi %scan3A_14, %scan3A_15 : i32
      %scan3A_17 = arith.constant 1 : i32
      scf.for %scan3A_19 = %scan3A_14 to %scan3A_16 step %scan3A_17  : i32 {
        %mul3A_20 = arith.constant 2 : i32
        %mul3A_21 = arith.muli %mul3A_20, %scan3A_19 : i32
        %dma_start3A = arith.constant 0 : i32
        %dma_start3A_22 = tpu.memref_slice %arg7[%mul3A_21, %dma_start3A] : memref<40x128xi32, #tpu.memory_space<vmem>> -> memref<1x128xi32, #tpu.memory_space<vmem>>
        %dma_start3A_23 = tpu.memref_squeeze %dma_start3A_22 : memref<1x128xi32, #tpu.memory_space<vmem>> -> memref<128xi32, #tpu.memory_space<vmem>>
        %dma_start3A_24 = arith.constant 0 : i32
        %dma_start3A_25 = arith.constant 0 : i32
        %dma_start3A_26 = tpu.memref_slice %arg2[%dma_start3A_24, %dma_start3A_25] : memref<10000x128xf32, #tpu.memory_space<hbm>> -> memref<10000x128xf32, #tpu.memory_space<hbm>>
        tpu.enqueue_indirect_dma source(%dma_start3A_26 : memref<10000x128xf32, #tpu.memory_space<hbm>>) target(%arg9 : memref<128x128xf32, #tpu.memory_space<vmem>>) offsets(%dma_start3A_23 : memref<128xi32, #tpu.memory_space<vmem>>) semaphore(%arg12 : memref<!tpu.dma_semaphore, #tpu.memory_space<semaphore_mem>>)
        %add3A_27 = arith.constant 1 : i32
        %add3A_28 = arith.addi %mul3A_21, %add3A_27 : i32
        %dma_start3A_29 = arith.constant 0 : i32
        %dma_start3A_30 = tpu.memref_slice %arg7[%add3A_28, %dma_start3A_29] : memref<40x128xi32, #tpu.memory_space<vmem>> -> memref<1x128xi32, #tpu.memory_space<vmem>>
        %dma_start3A_31 = tpu.memref_squeeze %dma_start3A_30 : memref<1x128xi32, #tpu.memory_space<vmem>> -> memref<128xi32, #tpu.memory_space<vmem>>
        %dma_start3A_32 = arith.constant 0 : i32
        %dma_start3A_33 = arith.constant 0 : i32
        %dma_start3A_34 = tpu.memref_slice %arg2[%dma_start3A_32, %dma_start3A_33] : memref<10000x128xf32, #tpu.memory_space<hbm>> -> memref<10000x128xf32, #tpu.memory_space<hbm>>
        tpu.enqueue_indirect_dma source(%dma_start3A_34 : memref<10000x128xf32, #tpu.memory_space<hbm>>) target(%arg10 : memref<128x128xf32, #tpu.memory_space<vmem>>) offsets(%dma_start3A_31 : memref<128xi32, #tpu.memory_space<vmem>>) semaphore(%arg13 : memref<!tpu.dma_semaphore, #tpu.memory_space<semaphore_mem>>)
        %dma_wait3A = arith.constant 0 : i32
        %dma_wait3A_35 = tpu.memref_slice %arg7[%mul3A_21, %dma_wait3A] : memref<40x128xi32, #tpu.memory_space<vmem>> -> memref<1x128xi32, #tpu.memory_space<vmem>>
        %dma_wait3A_36 = tpu.memref_squeeze %dma_wait3A_35 : memref<1x128xi32, #tpu.memory_space<vmem>> -> memref<128xi32, #tpu.memory_space<vmem>>
        %dma_wait3A_37 = arith.constant 0 : i32
        %dma_wait3A_38 = arith.constant 0 : i32
        %dma_wait3A_39 = tpu.memref_slice %arg2[%dma_wait3A_37, %dma_wait3A_38] : memref<10000x128xf32, #tpu.memory_space<hbm>> -> memref<10000x128xf32, #tpu.memory_space<hbm>>
        tpu.wait_indirect_dma semaphore(%arg12 : memref<!tpu.dma_semaphore, #tpu.memory_space<semaphore_mem>>) src(%dma_wait3A_39 : memref<10000x128xf32, #tpu.memory_space<hbm>>) dst(%arg9 : memref<128x128xf32, #tpu.memory_space<vmem>>)
        "tpu.region"() ({
          %run_scoped3A = tpu.sem_alloc : memref<!tpu.dma_semaphore, #tpu.memory_space<semaphore_mem>>
          %dma_start3A_48 = arith.constant 0 : i32
          %dma_start3A_49 = tpu.memref_slice %arg8[%mul3A_21, %dma_start3A_48] : memref<40x128xi32, #tpu.memory_space<vmem>> -> memref<1x128xi32, #tpu.memory_space<vmem>>
          %dma_start3A_50 = tpu.memref_squeeze %dma_start3A_49 : memref<1x128xi32, #tpu.memory_space<vmem>> -> memref<128xi32, #tpu.memory_space<vmem>>
          %dma_start3A_51 = arith.constant 0 : i32
          %dma_start3A_52 = arith.constant 0 : i32
          %dma_start3A_53 = tpu.memref_slice %arg11[%dma_start3A_51, %dma_start3A_52] : memref<10240x128xf32, #tpu.memory_space<vmem_shared>> -> memref<10240x128xf32, #tpu.memory_space<vmem_shared>>
          tpu.enqueue_indirect_dma source(%arg9 : memref<128x128xf32, #tpu.memory_space<vmem>>) target(%dma_start3A_53 : memref<10240x128xf32, #tpu.memory_space<vmem_shared>>) offsets(%dma_start3A_50 : memref<128xi32, #tpu.memory_space<vmem>>) semaphore(%run_scoped3A : memref<!tpu.dma_semaphore, #tpu.memory_space<semaphore_mem>>) {add = true}
          %dma_wait3A_54 = arith.constant 0 : i32
          %dma_wait3A_55 = tpu.memref_slice %arg8[%mul3A_21, %dma_wait3A_54] : memref<40x128xi32, #tpu.memory_space<vmem>> -> memref<1x128xi32, #tpu.memory_space<vmem>>
          %dma_wait3A_56 = tpu.memref_squeeze %dma_wait3A_55 : memref<1x128xi32, #tpu.memory_space<vmem>> -> memref<128xi32, #tpu.memory_space<vmem>>
          %dma_wait3A_57 = arith.constant 0 : i32
          %dma_wait3A_58 = arith.constant 0 : i32
          %dma_wait3A_59 = tpu.memref_slice %arg11[%dma_wait3A_57, %dma_wait3A_58] : memref<10240x128xf32, #tpu.memory_space<vmem_shared>> -> memref<10240x128xf32, #tpu.memory_space<vmem_shared>>
          tpu.wait_indirect_dma semaphore(%run_scoped3A : memref<!tpu.dma_semaphore, #tpu.memory_space<semaphore_mem>>) src(%arg9 : memref<128x128xf32, #tpu.memory_space<vmem>>) dst(%dma_wait3A_59 : memref<10240x128xf32, #tpu.memory_space<vmem_shared>>)
          tpu.yield
        }) : () -> ()
        %dma_wait3A_40 = arith.constant 0 : i32
        %dma_wait3A_41 = tpu.memref_slice %arg7[%add3A_28, %dma_wait3A_40] : memref<40x128xi32, #tpu.memory_space<vmem>> -> memref<1x128xi32, #tpu.memory_space<vmem>>
        %dma_wait3A_42 = tpu.memref_squeeze %dma_wait3A_41 : memref<1x128xi32, #tpu.memory_space<vmem>> -> memref<128xi32, #tpu.memory_space<vmem>>
        %dma_wait3A_43 = arith.constant 0 : i32
        %dma_wait3A_44 = arith.constant 0 : i32
        %dma_wait3A_45 = tpu.memref_slice %arg2[%dma_wait3A_43, %dma_wait3A_44] : memref<10000x128xf32, #tpu.memory_space<hbm>> -> memref<10000x128xf32, #tpu.memory_space<hbm>>
        tpu.wait_indirect_dma semaphore(%arg13 : memref<!tpu.dma_semaphore, #tpu.memory_space<semaphore_mem>>) src(%dma_wait3A_45 : memref<10000x128xf32, #tpu.memory_space<hbm>>) dst(%arg10 : memref<128x128xf32, #tpu.memory_space<vmem>>)
        %add3A_46 = arith.constant 1 : i32
        %add3A_47 = arith.addi %mul3A_21, %add3A_46 : i32
        "tpu.region"() ({
          %run_scoped3A = tpu.sem_alloc : memref<!tpu.dma_semaphore, #tpu.memory_space<semaphore_mem>>
          %dma_start3A_48 = arith.constant 0 : i32
          %dma_start3A_49 = tpu.memref_slice %arg8[%add3A_47, %dma_start3A_48] : memref<40x128xi32, #tpu.memory_space<vmem>> -> memref<1x128xi32, #tpu.memory_space<vmem>>
          %dma_start3A_50 = tpu.memref_squeeze %dma_start3A_49 : memref<1x128xi32, #tpu.memory_space<vmem>> -> memref<128xi32, #tpu.memory_space<vmem>>
          %dma_start3A_51 = arith.constant 0 : i32
          %dma_start3A_52 = arith.constant 0 : i32
          %dma_start3A_53 = tpu.memref_slice %arg11[%dma_start3A_51, %dma_start3A_52] : memref<10240x128xf32, #tpu.memory_space<vmem_shared>> -> memref<10240x128xf32, #tpu.memory_space<vmem_shared>>
          tpu.enqueue_indirect_dma source(%arg10 : memref<128x128xf32, #tpu.memory_space<vmem>>) target(%dma_start3A_53 : memref<10240x128xf32, #tpu.memory_space<vmem_shared>>) offsets(%dma_start3A_50 : memref<128xi32, #tpu.memory_space<vmem>>) semaphore(%run_scoped3A : memref<!tpu.dma_semaphore, #tpu.memory_space<semaphore_mem>>) {add = true}
          %dma_wait3A_54 = arith.constant 0 : i32
          %dma_wait3A_55 = tpu.memref_slice %arg8[%add3A_47, %dma_wait3A_54] : memref<40x128xi32, #tpu.memory_space<vmem>> -> memref<1x128xi32, #tpu.memory_space<vmem>>
          %dma_wait3A_56 = tpu.memref_squeeze %dma_wait3A_55 : memref<1x128xi32, #tpu.memory_space<vmem>> -> memref<128xi32, #tpu.memory_space<vmem>>
          %dma_wait3A_57 = arith.constant 0 : i32
          %dma_wait3A_58 = arith.constant 0 : i32
          %dma_wait3A_59 = tpu.memref_slice %arg11[%dma_wait3A_57, %dma_wait3A_58] : memref<10240x128xf32, #tpu.memory_space<vmem_shared>> -> memref<10240x128xf32, #tpu.memory_space<vmem_shared>>
          tpu.wait_indirect_dma semaphore(%run_scoped3A : memref<!tpu.dma_semaphore, #tpu.memory_space<semaphore_mem>>) src(%arg10 : memref<128x128xf32, #tpu.memory_space<vmem>>) dst(%dma_wait3A_59 : memref<10240x128xf32, #tpu.memory_space<vmem_shared>>)
          tpu.yield
        }) : () -> ()
      }
      %scan3A_18 = arith.constant 20 : i32
    }
    %scan3A_7 = arith.constant 2 : i32
    %barrier3A_8 = arith.constant 0 : index
    tpu.barrier barrier_id(%barrier3A_8)
    "tpu.region"() ({
      %run_scoped3A = tpu.sem_alloc : memref<!tpu.dma_semaphore, #tpu.memory_space<semaphore_mem>>
      %dma_start3A = arith.constant 0 : i32
      %dma_start3A_9 = tpu.memref_slice %arg6[%arg0, %mul3A_2, %dma_start3A] : memref<2x10240x128xf32, #tpu.memory_space<hbm>> -> memref<1x640x128xf32, #tpu.memory_space<hbm>>
      %dma_start3A_10 = tpu.memref_squeeze %dma_start3A_9 : memref<1x640x128xf32, #tpu.memory_space<hbm>> -> memref<640x128xf32, #tpu.memory_space<hbm>>
      %dma_start3A_11 = arith.constant 0 : i32
      %dma_start3A_12 = tpu.memref_slice %arg11[%mul3A_2, %dma_start3A_11] : memref<10240x128xf32, #tpu.memory_space<vmem_shared>> -> memref<640x128xf32, #tpu.memory_space<vmem_shared>>
      tpu.enqueue_dma source(%dma_start3A_12 : memref<640x128xf32, #tpu.memory_space<vmem_shared>>) target(%dma_start3A_10 : memref<640x128xf32, #tpu.memory_space<hbm>>) target_semaphore(%run_scoped3A : memref<!tpu.dma_semaphore, #tpu.memory_space<semaphore_mem>>)
      %dma_wait3A = arith.constant 0 : i32
      %dma_wait3A_13 = tpu.memref_slice %arg6[%arg0, %mul3A_2, %dma_wait3A] : memref<2x10240x128xf32, #tpu.memory_space<hbm>> -> memref<1x640x128xf32, #tpu.memory_space<hbm>>
      %dma_wait3A_14 = tpu.memref_squeeze %dma_wait3A_13 : memref<1x640x128xf32, #tpu.memory_space<hbm>> -> memref<640x128xf32, #tpu.memory_space<hbm>>
      %dma_wait3A_15 = arith.constant 0 : i32
      %dma_wait3A_16 = tpu.memref_slice %arg11[%mul3A_2, %dma_wait3A_15] : memref<10240x128xf32, #tpu.memory_space<vmem_shared>> -> memref<640x128xf32, #tpu.memory_space<vmem_shared>>
      tpu.wait_dma2 semaphore(%run_scoped3A : memref<!tpu.dma_semaphore, #tpu.memory_space<semaphore_mem>>) src(%dma_wait3A_16 : memref<640x128xf32, #tpu.memory_space<vmem_shared>>) dst(%dma_wait3A_14 : memref<640x128xf32, #tpu.memory_space<hbm>>)
      tpu.yield
    }) : () -> ()
    return
  }
}

#map = affine_map<(d0, d1) -> (0, 0)>
#map1 = affine_map<(d0, d1) -> (0, 0, 0)>
module attributes {stable_mosaic.version = 14 : i64} {
  func.func @_sc_segment_sum(%arg0: i32, %arg1: i32, %arg2: memref<10000x128xf32, #tpu.memory_space<hbm>>, %arg3: memref<32x80x128xi32, #tpu.memory_space<hbm>>, %arg4: memref<32x80x128xi32, #tpu.memory_space<hbm>>, %arg5: memref<10240x128xf32, #tpu.memory_space<hbm>>, %arg6: memref<2x10240x128xf32, #tpu.memory_space<hbm>>, %arg7: memref<40x128xi32, #tpu.memory_space<vmem>>, %arg8: memref<40x128xi32, #tpu.memory_space<vmem>>, %arg9: memref<128x128xf32, #tpu.memory_space<vmem>>, %arg10: memref<128x128xf32, #tpu.memory_space<vmem>>, %arg11: memref<10240x128xf32, #tpu.memory_space<vmem_shared>>, %arg12: memref<!tpu.dma_semaphore, #tpu.memory_space<semaphore_mem>>, %arg13: memref<!tpu.dma_semaphore, #tpu.memory_space<semaphore_mem>>) attributes {dimension_semantics = [#tpu.dimension_semantics<core_parallel>, #tpu.dimension_semantics<subcore_parallel>], iteration_bounds = array<i64: 2, 16>, scalar_prefetch = 0 : i64, scratch_operands = 7 : i64, tpu.core_type = #tpu.core_type<sc_vector_subcore>, window_params = [{transform_indices = #map}, {transform_indices = #map1}, {transform_indices = #map1}, {transform_indices = #map}, {transform_indices = #map1}]} {
    %mul3A = arith.constant 16 : i32
    %mul3A_0 = arith.muli %arg0, %mul3A : i32
    %add3A = arith.addi %mul3A_0, %arg1 : i32
    %mul3A_1 = arith.constant 640 : i32
    %mul3A_2 = arith.muli %arg1, %mul3A_1 : i32
    "tpu.region"() ({
      %run_scoped3A = tpu.sem_alloc : memref<!tpu.dma_semaphore, #tpu.memory_space<semaphore_mem>>
      %dma_start3A = arith.constant 0 : i32
      %dma_start3A_9 = tpu.memref_slice %arg11[%mul3A_2, %dma_start3A] : memref<10240x128xf32, #tpu.memory_space<vmem_shared>> -> memref<640x128xf32, #tpu.memory_space<vmem_shared>>
      %dma_start3A_10 = arith.constant 0 : i32
      %dma_start3A_11 = tpu.memref_slice %arg5[%mul3A_2, %dma_start3A_10] : memref<10240x128xf32, #tpu.memory_space<hbm>> -> memref<640x128xf32, #tpu.memory_space<hbm>>
      tpu.enqueue_dma source(%dma_start3A_11 : memref<640x128xf32, #tpu.memory_space<hbm>>) target(%dma_start3A_9 : memref<640x128xf32, #tpu.memory_space<vmem_shared>>) target_semaphore(%run_scoped3A : memref<!tpu.dma_semaphore, #tpu.memory_space<semaphore_mem>>)
      %dma_wait3A = arith.constant 0 : i32
      %dma_wait3A_12 = tpu.memref_slice %arg11[%mul3A_2, %dma_wait3A] : memref<10240x128xf32, #tpu.memory_space<vmem_shared>> -> memref<640x128xf32, #tpu.memory_space<vmem_shared>>
      %dma_wait3A_13 = arith.constant 0 : i32
      %dma_wait3A_14 = tpu.memref_slice %arg5[%mul3A_2, %dma_wait3A_13] : memref<10240x128xf32, #tpu.memory_space<hbm>> -> memref<640x128xf32, #tpu.memory_space<hbm>>
      tpu.wait_dma2 semaphore(%run_scoped3A : memref<!tpu.dma_semaphore, #tpu.memory_space<semaphore_mem>>) src(%dma_wait3A_14 : memref<640x128xf32, #tpu.memory_space<hbm>>) dst(%dma_wait3A_12 : memref<640x128xf32, #tpu.memory_space<vmem_shared>>)
      tpu.yield
    }) : () -> ()
    %barrier3A = arith.constant 0 : index
    tpu.barrier barrier_id(%barrier3A)
    %scan3A = arith.constant 0 : i32
    %scan3A_3 = arith.constant 0 : i32
    %scan3A_4 = arith.constant 2 : i32
    %scan3A_5 = arith.addi %scan3A_3, %scan3A_4 : i32
    %scan3A_6 = arith.constant 1 : i32
    scf.for %scan3A_9 = %scan3A_3 to %scan3A_5 step %scan3A_6  : i32 {
      %mul3A_10 = arith.constant 40 : i32
      %mul3A_11 = arith.muli %scan3A_9, %mul3A_10 : i32
      "tpu.region"() ({
        %run_scoped3A = tpu.sem_alloc : memref<!tpu.dma_semaphore, #tpu.memory_space<semaphore_mem>>
        %dma_start3A = arith.constant 0 : i32
        %dma_start3A_19 = tpu.memref_slice %arg3[%add3A, %mul3A_11, %dma_start3A] : memref<32x80x128xi32, #tpu.memory_space<hbm>> -> memref<1x40x128xi32, #tpu.memory_space<hbm>>
        %dma_start3A_20 = tpu.memref_squeeze %dma_start3A_19 : memref<1x40x128xi32, #tpu.memory_space<hbm>> -> memref<40x128xi32, #tpu.memory_space<hbm>>
        %dma_start3A_21 = arith.constant 0 : i32
        %dma_start3A_22 = tpu.memref_slice %arg3[%add3A, %mul3A_11, %dma_start3A_21] : memref<32x80x128xi32, #tpu.memory_space<hbm>> -> memref<1x40x128xi32, #tpu.memory_space<hbm>>
        %dma_start3A_23 = tpu.memref_squeeze %dma_start3A_22 : memref<1x40x128xi32, #tpu.memory_space<hbm>> -> memref<40x128xi32, #tpu.memory_space<hbm>>
        tpu.enqueue_dma source(%dma_start3A_23 : memref<40x128xi32, #tpu.memory_space<hbm>>) target(%arg7 : memref<40x128xi32, #tpu.memory_space<vmem>>) target_semaphore(%run_scoped3A : memref<!tpu.dma_semaphore, #tpu.memory_space<semaphore_mem>>)
        %dma_wait3A = arith.constant 0 : i32
        %dma_wait3A_24 = tpu.memref_slice %arg3[%add3A, %mul3A_11, %dma_wait3A] : memref<32x80x128xi32, #tpu.memory_space<hbm>> -> memref<1x40x128xi32, #tpu.memory_space<hbm>>
        %dma_wait3A_25 = tpu.memref_squeeze %dma_wait3A_24 : memref<1x40x128xi32, #tpu.memory_space<hbm>> -> memref<40x128xi32, #tpu.memory_space<hbm>>
        %dma_wait3A_26 = arith.constant 0 : i32
        %dma_wait3A_27 = tpu.memref_slice %arg3[%add3A, %mul3A_11, %dma_wait3A_26] : memref<32x80x128xi32, #tpu.memory_space<hbm>> -> memref<1x40x128xi32, #tpu.memory_space<hbm>>
        %dma_wait3A_28 = tpu.memref_squeeze %dma_wait3A_27 : memref<1x40x128xi32, #tpu.memory_space<hbm>> -> memref<40x128xi32, #tpu.memory_space<hbm>>
        tpu.wait_dma2 semaphore(%run_scoped3A : memref<!tpu.dma_semaphore, #tpu.memory_space<semaphore_mem>>) src(%dma_wait3A_28 : memref<40x128xi32, #tpu.memory_space<hbm>>) dst(%arg7 : memref<40x128xi32, #tpu.memory_space<vmem>>)
        tpu.yield
      }) : () -> ()
      %mul3A_12 = arith.constant 40 : i32
      %mul3A_13 = arith.muli %scan3A_9, %mul3A_12 : i32
      "tpu.region"() ({
        %run_scoped3A = tpu.sem_alloc : memref<!tpu.dma_semaphore, #tpu.memory_space<semaphore_mem>>
        %dma_start3A = arith.constant 0 : i32
        %dma_start3A_19 = tpu.memref_slice %arg4[%add3A, %mul3A_13, %dma_start3A] : memref<32x80x128xi32, #tpu.memory_space<hbm>> -> memref<1x40x128xi32, #tpu.memory_space<hbm>>
        %dma_start3A_20 = tpu.memref_squeeze %dma_start3A_19 : memref<1x40x128xi32, #tpu.memory_space<hbm>> -> memref<40x128xi32, #tpu.memory_space<hbm>>
        %dma_start3A_21 = arith.constant 0 : i32
        %dma_start3A_22 = tpu.memref_slice %arg4[%add3A, %mul3A_13, %dma_start3A_21] : memref<32x80x128xi32, #tpu.memory_space<hbm>> -> memref<1x40x128xi32, #tpu.memory_space<hbm>>
        %dma_start3A_23 = tpu.memref_squeeze %dma_start3A_22 : memref<1x40x128xi32, #tpu.memory_space<hbm>> -> memref<40x128xi32, #tpu.memory_space<hbm>>
        tpu.enqueue_dma source(%dma_start3A_23 : memref<40x128xi32, #tpu.memory_space<hbm>>) target(%arg8 : memref<40x128xi32, #tpu.memory_space<vmem>>) target_semaphore(%run_scoped3A : memref<!tpu.dma_semaphore, #tpu.memory_space<semaphore_mem>>)
        %dma_wait3A = arith.constant 0 : i32
        %dma_wait3A_24 = tpu.memref_slice %arg4[%add3A, %mul3A_13, %dma_wait3A] : memref<32x80x128xi32, #tpu.memory_space<hbm>> -> memref<1x40x128xi32, #tpu.memory_space<hbm>>
        %dma_wait3A_25 = tpu.memref_squeeze %dma_wait3A_24 : memref<1x40x128xi32, #tpu.memory_space<hbm>> -> memref<40x128xi32, #tpu.memory_space<hbm>>
        %dma_wait3A_26 = arith.constant 0 : i32
        %dma_wait3A_27 = tpu.memref_slice %arg4[%add3A, %mul3A_13, %dma_wait3A_26] : memref<32x80x128xi32, #tpu.memory_space<hbm>> -> memref<1x40x128xi32, #tpu.memory_space<hbm>>
        %dma_wait3A_28 = tpu.memref_squeeze %dma_wait3A_27 : memref<1x40x128xi32, #tpu.memory_space<hbm>> -> memref<40x128xi32, #tpu.memory_space<hbm>>
        tpu.wait_dma2 semaphore(%run_scoped3A : memref<!tpu.dma_semaphore, #tpu.memory_space<semaphore_mem>>) src(%dma_wait3A_28 : memref<40x128xi32, #tpu.memory_space<hbm>>) dst(%arg8 : memref<40x128xi32, #tpu.memory_space<vmem>>)
        tpu.yield
      }) : () -> ()
      %scan3A_14 = arith.constant 0 : i32
      %scan3A_15 = arith.constant 20 : i32
      %scan3A_16 = arith.addi %scan3A_14, %scan3A_15 : i32
      %scan3A_17 = arith.constant 1 : i32
      scf.for %scan3A_19 = %scan3A_14 to %scan3A_16 step %scan3A_17  : i32 {
        %mul3A_20 = arith.constant 2 : i32
        %mul3A_21 = arith.muli %mul3A_20, %scan3A_19 : i32
        %dma_start3A = arith.constant 0 : i32
        %dma_start3A_22 = tpu.memref_slice %arg7[%mul3A_21, %dma_start3A] : memref<40x128xi32, #tpu.memory_space<vmem>> -> memref<1x128xi32, #tpu.memory_space<vmem>>
        %dma_start3A_23 = tpu.memref_squeeze %dma_start3A_22 : memref<1x128xi32, #tpu.memory_space<vmem>> -> memref<128xi32, #tpu.memory_space<vmem>>
        %dma_start3A_24 = arith.constant 0 : i32
        %dma_start3A_25 = arith.constant 0 : i32
        %dma_start3A_26 = tpu.memref_slice %arg2[%dma_start3A_24, %dma_start3A_25] : memref<10000x128xf32, #tpu.memory_space<hbm>> -> memref<10000x128xf32, #tpu.memory_space<hbm>>
        tpu.enqueue_indirect_dma source(%dma_start3A_26 : memref<10000x128xf32, #tpu.memory_space<hbm>>) target(%arg9 : memref<128x128xf32, #tpu.memory_space<vmem>>) offsets(%dma_start3A_23 : memref<128xi32, #tpu.memory_space<vmem>>) semaphore(%arg12 : memref<!tpu.dma_semaphore, #tpu.memory_space<semaphore_mem>>)
        %add3A_27 = arith.constant 1 : i32
        %add3A_28 = arith.addi %mul3A_21, %add3A_27 : i32
        %dma_start3A_29 = arith.constant 0 : i32
        %dma_start3A_30 = tpu.memref_slice %arg7[%add3A_28, %dma_start3A_29] : memref<40x128xi32, #tpu.memory_space<vmem>> -> memref<1x128xi32, #tpu.memory_space<vmem>>
        %dma_start3A_31 = tpu.memref_squeeze %dma_start3A_30 : memref<1x128xi32, #tpu.memory_space<vmem>> -> memref<128xi32, #tpu.memory_space<vmem>>
        %dma_start3A_32 = arith.constant 0 : i32
        %dma_start3A_33 = arith.constant 0 : i32
        %dma_start3A_34 = tpu.memref_slice %arg2[%dma_start3A_32, %dma_start3A_33] : memref<10000x128xf32, #tpu.memory_space<hbm>> -> memref<10000x128xf32, #tpu.memory_space<hbm>>
        tpu.enqueue_indirect_dma source(%dma_start3A_34 : memref<10000x128xf32, #tpu.memory_space<hbm>>) target(%arg10 : memref<128x128xf32, #tpu.memory_space<vmem>>) offsets(%dma_start3A_31 : memref<128xi32, #tpu.memory_space<vmem>>) semaphore(%arg13 : memref<!tpu.dma_semaphore, #tpu.memory_space<semaphore_mem>>)
        %dma_wait3A = arith.constant 0 : i32
        %dma_wait3A_35 = tpu.memref_slice %arg7[%mul3A_21, %dma_wait3A] : memref<40x128xi32, #tpu.memory_space<vmem>> -> memref<1x128xi32, #tpu.memory_space<vmem>>
        %dma_wait3A_36 = tpu.memref_squeeze %dma_wait3A_35 : memref<1x128xi32, #tpu.memory_space<vmem>> -> memref<128xi32, #tpu.memory_space<vmem>>
        %dma_wait3A_37 = arith.constant 0 : i32
        %dma_wait3A_38 = arith.constant 0 : i32
        %dma_wait3A_39 = tpu.memref_slice %arg2[%dma_wait3A_37, %dma_wait3A_38] : memref<10000x128xf32, #tpu.memory_space<hbm>> -> memref<10000x128xf32, #tpu.memory_space<hbm>>
        tpu.wait_indirect_dma semaphore(%arg12 : memref<!tpu.dma_semaphore, #tpu.memory_space<semaphore_mem>>) src(%dma_wait3A_39 : memref<10000x128xf32, #tpu.memory_space<hbm>>) dst(%arg9 : memref<128x128xf32, #tpu.memory_space<vmem>>)
        "tpu.region"() ({
          %run_scoped3A = tpu.sem_alloc : memref<!tpu.dma_semaphore, #tpu.memory_space<semaphore_mem>>
          %dma_start3A_48 = arith.constant 0 : i32
          %dma_start3A_49 = tpu.memref_slice %arg8[%mul3A_21, %dma_start3A_48] : memref<40x128xi32, #tpu.memory_space<vmem>> -> memref<1x128xi32, #tpu.memory_space<vmem>>
          %dma_start3A_50 = tpu.memref_squeeze %dma_start3A_49 : memref<1x128xi32, #tpu.memory_space<vmem>> -> memref<128xi32, #tpu.memory_space<vmem>>
          %dma_start3A_51 = arith.constant 0 : i32
          %dma_start3A_52 = arith.constant 0 : i32
          %dma_start3A_53 = tpu.memref_slice %arg11[%dma_start3A_51, %dma_start3A_52] : memref<10240x128xf32, #tpu.memory_space<vmem_shared>> -> memref<10240x128xf32, #tpu.memory_space<vmem_shared>>
          tpu.enqueue_indirect_dma source(%arg9 : memref<128x128xf32, #tpu.memory_space<vmem>>) target(%dma_start3A_53 : memref<10240x128xf32, #tpu.memory_space<vmem_shared>>) offsets(%dma_start3A_50 : memref<128xi32, #tpu.memory_space<vmem>>) semaphore(%run_scoped3A : memref<!tpu.dma_semaphore, #tpu.memory_space<semaphore_mem>>) {add = true}
          %dma_wait3A_54 = arith.constant 0 : i32
          %dma_wait3A_55 = tpu.memref_slice %arg8[%mul3A_21, %dma_wait3A_54] : memref<40x128xi32, #tpu.memory_space<vmem>> -> memref<1x128xi32, #tpu.memory_space<vmem>>
          %dma_wait3A_56 = tpu.memref_squeeze %dma_wait3A_55 : memref<1x128xi32, #tpu.memory_space<vmem>> -> memref<128xi32, #tpu.memory_space<vmem>>
          %dma_wait3A_57 = arith.constant 0 : i32
          %dma_wait3A_58 = arith.constant 0 : i32
          %dma_wait3A_59 = tpu.memref_slice %arg11[%dma_wait3A_57, %dma_wait3A_58] : memref<10240x128xf32, #tpu.memory_space<vmem_shared>> -> memref<10240x128xf32, #tpu.memory_space<vmem_shared>>
          tpu.wait_indirect_dma semaphore(%run_scoped3A : memref<!tpu.dma_semaphore, #tpu.memory_space<semaphore_mem>>) src(%arg9 : memref<128x128xf32, #tpu.memory_space<vmem>>) dst(%dma_wait3A_59 : memref<10240x128xf32, #tpu.memory_space<vmem_shared>>)
          tpu.yield
        }) : () -> ()
        %dma_wait3A_40 = arith.constant 0 : i32
        %dma_wait3A_41 = tpu.memref_slice %arg7[%add3A_28, %dma_wait3A_40] : memref<40x128xi32, #tpu.memory_space<vmem>> -> memref<1x128xi32, #tpu.memory_space<vmem>>
        %dma_wait3A_42 = tpu.memref_squeeze %dma_wait3A_41 : memref<1x128xi32, #tpu.memory_space<vmem>> -> memref<128xi32, #tpu.memory_space<vmem>>
        %dma_wait3A_43 = arith.constant 0 : i32
        %dma_wait3A_44 = arith.constant 0 : i32
        %dma_wait3A_45 = tpu.memref_slice %arg2[%dma_wait3A_43, %dma_wait3A_44] : memref<10000x128xf32, #tpu.memory_space<hbm>> -> memref<10000x128xf32, #tpu.memory_space<hbm>>
        tpu.wait_indirect_dma semaphore(%arg13 : memref<!tpu.dma_semaphore, #tpu.memory_space<semaphore_mem>>) src(%dma_wait3A_45 : memref<10000x128xf32, #tpu.memory_space<hbm>>) dst(%arg10 : memref<128x128xf32, #tpu.memory_space<vmem>>)
        %add3A_46 = arith.constant 1 : i32
        %add3A_47 = arith.addi %mul3A_21, %add3A_46 : i32
        "tpu.region"() ({
          %run_scoped3A = tpu.sem_alloc : memref<!tpu.dma_semaphore, #tpu.memory_space<semaphore_mem>>
          %dma_start3A_48 = arith.constant 0 : i32
          %dma_start3A_49 = tpu.memref_slice %arg8[%add3A_47, %dma_start3A_48] : memref<40x128xi32, #tpu.memory_space<vmem>> -> memref<1x128xi32, #tpu.memory_space<vmem>>
          %dma_start3A_50 = tpu.memref_squeeze %dma_start3A_49 : memref<1x128xi32, #tpu.memory_space<vmem>> -> memref<128xi32, #tpu.memory_space<vmem>>
          %dma_start3A_51 = arith.constant 0 : i32
          %dma_start3A_52 = arith.constant 0 : i32
          %dma_start3A_53 = tpu.memref_slice %arg11[%dma_start3A_51, %dma_start3A_52] : memref<10240x128xf32, #tpu.memory_space<vmem_shared>> -> memref<10240x128xf32, #tpu.memory_space<vmem_shared>>
          tpu.enqueue_indirect_dma source(%arg10 : memref<128x128xf32, #tpu.memory_space<vmem>>) target(%dma_start3A_53 : memref<10240x128xf32, #tpu.memory_space<vmem_shared>>) offsets(%dma_start3A_50 : memref<128xi32, #tpu.memory_space<vmem>>) semaphore(%run_scoped3A : memref<!tpu.dma_semaphore, #tpu.memory_space<semaphore_mem>>) {add = true}
          %dma_wait3A_54 = arith.constant 0 : i32
          %dma_wait3A_55 = tpu.memref_slice %arg8[%add3A_47, %dma_wait3A_54] : memref<40x128xi32, #tpu.memory_space<vmem>> -> memref<1x128xi32, #tpu.memory_space<vmem>>
          %dma_wait3A_56 = tpu.memref_squeeze %dma_wait3A_55 : memref<1x128xi32, #tpu.memory_space<vmem>> -> memref<128xi32, #tpu.memory_space<vmem>>
          %dma_wait3A_57 = arith.constant 0 : i32
          %dma_wait3A_58 = arith.constant 0 : i32
          %dma_wait3A_59 = tpu.memref_slice %arg11[%dma_wait3A_57, %dma_wait3A_58] : memref<10240x128xf32, #tpu.memory_space<vmem_shared>> -> memref<10240x128xf32, #tpu.memory_space<vmem_shared>>
          tpu.wait_indirect_dma semaphore(%run_scoped3A : memref<!tpu.dma_semaphore, #tpu.memory_space<semaphore_mem>>) src(%arg10 : memref<128x128xf32, #tpu.memory_space<vmem>>) dst(%dma_wait3A_59 : memref<10240x128xf32, #tpu.memory_space<vmem_shared>>)
          tpu.yield
        }) : () -> ()
      }
      %scan3A_18 = arith.constant 20 : i32
    }
    %scan3A_7 = arith.constant 2 : i32
    %barrier3A_8 = arith.constant 0 : index
    tpu.barrier barrier_id(%barrier3A_8)
    "tpu.region"() ({
      %run_scoped3A = tpu.sem_alloc : memref<!tpu.dma_semaphore, #tpu.memory_space<semaphore_mem>>
      %dma_start3A = arith.constant 0 : i32
      %dma_start3A_9 = tpu.memref_slice %arg6[%arg0, %mul3A_2, %dma_start3A] : memref<2x10240x128xf32, #tpu.memory_space<hbm>> -> memref<1x640x128xf32, #tpu.memory_space<hbm>>
      %dma_start3A_10 = tpu.memref_squeeze %dma_start3A_9 : memref<1x640x128xf32, #tpu.memory_space<hbm>> -> memref<640x128xf32, #tpu.memory_space<hbm>>
      %dma_start3A_11 = arith.constant 0 : i32
      %dma_start3A_12 = tpu.memref_slice %arg11[%mul3A_2, %dma_start3A_11] : memref<10240x128xf32, #tpu.memory_space<vmem_shared>> -> memref<640x128xf32, #tpu.memory_space<vmem_shared>>
      tpu.enqueue_dma source(%dma_start3A_12 : memref<640x128xf32, #tpu.memory_space<vmem_shared>>) target(%dma_start3A_10 : memref<640x128xf32, #tpu.memory_space<hbm>>) target_semaphore(%run_scoped3A : memref<!tpu.dma_semaphore, #tpu.memory_space<semaphore_mem>>)
      %dma_wait3A = arith.constant 0 : i32
      %dma_wait3A_13 = tpu.memref_slice %arg6[%arg0, %mul3A_2, %dma_wait3A] : memref<2x10240x128xf32, #tpu.memory_space<hbm>> -> memref<1x640x128xf32, #tpu.memory_space<hbm>>
      %dma_wait3A_14 = tpu.memref_squeeze %dma_wait3A_13 : memref<1x640x128xf32, #tpu.memory_space<hbm>> -> memref<640x128xf32, #tpu.memory_space<hbm>>
      %dma_wait3A_15 = arith.constant 0 : i32
      %dma_wait3A_16 = tpu.memref_slice %arg11[%mul3A_2, %dma_wait3A_15] : memref<10240x128xf32, #tpu.memory_space<vmem_shared>> -> memref<640x128xf32, #tpu.memory_space<vmem_shared>>
      tpu.wait_dma2 semaphore(%run_scoped3A : memref<!tpu.dma_semaphore, #tpu.memory_space<semaphore_mem>>) src(%dma_wait3A_16 : memref<640x128xf32, #tpu.memory_space<vmem_shared>>) dst(%dma_wait3A_14 : memref<640x128xf32, #tpu.memory_space<hbm>>)
      tpu.yield
    }) : () -> ()
    return
  }
}

#map = affine_map<(d0, d1) -> (0, 0)>
#map1 = affine_map<(d0, d1) -> (0, 0, 0)>
module attributes {stable_mosaic.version = 14 : i64} {
  func.func @_sc_segment_sum(%arg0: i32, %arg1: i32, %arg2: memref<10000x128xf32, #tpu.memory_space<hbm>>, %arg3: memref<32x80x128xi32, #tpu.memory_space<hbm>>, %arg4: memref<32x80x128xi32, #tpu.memory_space<hbm>>, %arg5: memref<10240x128xf32, #tpu.memory_space<hbm>>, %arg6: memref<2x10240x128xf32, #tpu.memory_space<hbm>>, %arg7: memref<40x128xi32, #tpu.memory_space<vmem>>, %arg8: memref<40x128xi32, #tpu.memory_space<vmem>>, %arg9: memref<128x128xf32, #tpu.memory_space<vmem>>, %arg10: memref<128x128xf32, #tpu.memory_space<vmem>>, %arg11: memref<10240x128xf32, #tpu.memory_space<vmem_shared>>, %arg12: memref<!tpu.dma_semaphore, #tpu.memory_space<semaphore_mem>>, %arg13: memref<!tpu.dma_semaphore, #tpu.memory_space<semaphore_mem>>) attributes {dimension_semantics = [#tpu.dimension_semantics<core_parallel>, #tpu.dimension_semantics<subcore_parallel>], iteration_bounds = array<i64: 2, 16>, scalar_prefetch = 0 : i64, scratch_operands = 7 : i64, tpu.core_type = #tpu.core_type<sc_vector_subcore>, window_params = [{transform_indices = #map}, {transform_indices = #map1}, {transform_indices = #map1}, {transform_indices = #map}, {transform_indices = #map1}]} {
    %mul3A = arith.constant 16 : i32
    %mul3A_0 = arith.muli %arg0, %mul3A : i32
    %add3A = arith.addi %mul3A_0, %arg1 : i32
    %mul3A_1 = arith.constant 640 : i32
    %mul3A_2 = arith.muli %arg1, %mul3A_1 : i32
    "tpu.region"() ({
      %run_scoped3A = tpu.sem_alloc : memref<!tpu.dma_semaphore, #tpu.memory_space<semaphore_mem>>
      %dma_start3A = arith.constant 0 : i32
      %dma_start3A_9 = tpu.memref_slice %arg11[%mul3A_2, %dma_start3A] : memref<10240x128xf32, #tpu.memory_space<vmem_shared>> -> memref<640x128xf32, #tpu.memory_space<vmem_shared>>
      %dma_start3A_10 = arith.constant 0 : i32
      %dma_start3A_11 = tpu.memref_slice %arg5[%mul3A_2, %dma_start3A_10] : memref<10240x128xf32, #tpu.memory_space<hbm>> -> memref<640x128xf32, #tpu.memory_space<hbm>>
      tpu.enqueue_dma source(%dma_start3A_11 : memref<640x128xf32, #tpu.memory_space<hbm>>) target(%dma_start3A_9 : memref<640x128xf32, #tpu.memory_space<vmem_shared>>) target_semaphore(%run_scoped3A : memref<!tpu.dma_semaphore, #tpu.memory_space<semaphore_mem>>)
      %dma_wait3A = arith.constant 0 : i32
      %dma_wait3A_12 = tpu.memref_slice %arg11[%mul3A_2, %dma_wait3A] : memref<10240x128xf32, #tpu.memory_space<vmem_shared>> -> memref<640x128xf32, #tpu.memory_space<vmem_shared>>
      %dma_wait3A_13 = arith.constant 0 : i32
      %dma_wait3A_14 = tpu.memref_slice %arg5[%mul3A_2, %dma_wait3A_13] : memref<10240x128xf32, #tpu.memory_space<hbm>> -> memref<640x128xf32, #tpu.memory_space<hbm>>
      tpu.wait_dma2 semaphore(%run_scoped3A : memref<!tpu.dma_semaphore, #tpu.memory_space<semaphore_mem>>) src(%dma_wait3A_14 : memref<640x128xf32, #tpu.memory_space<hbm>>) dst(%dma_wait3A_12 : memref<640x128xf32, #tpu.memory_space<vmem_shared>>)
      tpu.yield
    }) : () -> ()
    %barrier3A = arith.constant 0 : index
    tpu.barrier barrier_id(%barrier3A)
    %scan3A = arith.constant 0 : i32
    %scan3A_3 = arith.constant 0 : i32
    %scan3A_4 = arith.constant 2 : i32
    %scan3A_5 = arith.addi %scan3A_3, %scan3A_4 : i32
    %scan3A_6 = arith.constant 1 : i32
    scf.for %scan3A_9 = %scan3A_3 to %scan3A_5 step %scan3A_6  : i32 {
      %mul3A_10 = arith.constant 40 : i32
      %mul3A_11 = arith.muli %scan3A_9, %mul3A_10 : i32
      "tpu.region"() ({
        %run_scoped3A = tpu.sem_alloc : memref<!tpu.dma_semaphore, #tpu.memory_space<semaphore_mem>>
        %dma_start3A = arith.constant 0 : i32
        %dma_start3A_19 = tpu.memref_slice %arg3[%add3A, %mul3A_11, %dma_start3A] : memref<32x80x128xi32, #tpu.memory_space<hbm>> -> memref<1x40x128xi32, #tpu.memory_space<hbm>>
        %dma_start3A_20 = tpu.memref_squeeze %dma_start3A_19 : memref<1x40x128xi32, #tpu.memory_space<hbm>> -> memref<40x128xi32, #tpu.memory_space<hbm>>
        %dma_start3A_21 = arith.constant 0 : i32
        %dma_start3A_22 = tpu.memref_slice %arg3[%add3A, %mul3A_11, %dma_start3A_21] : memref<32x80x128xi32, #tpu.memory_space<hbm>> -> memref<1x40x128xi32, #tpu.memory_space<hbm>>
        %dma_start3A_23 = tpu.memref_squeeze %dma_start3A_22 : memref<1x40x128xi32, #tpu.memory_space<hbm>> -> memref<40x128xi32, #tpu.memory_space<hbm>>
        tpu.enqueue_dma source(%dma_start3A_23 : memref<40x128xi32, #tpu.memory_space<hbm>>) target(%arg7 : memref<40x128xi32, #tpu.memory_space<vmem>>) target_semaphore(%run_scoped3A : memref<!tpu.dma_semaphore, #tpu.memory_space<semaphore_mem>>)
        %dma_wait3A = arith.constant 0 : i32
        %dma_wait3A_24 = tpu.memref_slice %arg3[%add3A, %mul3A_11, %dma_wait3A] : memref<32x80x128xi32, #tpu.memory_space<hbm>> -> memref<1x40x128xi32, #tpu.memory_space<hbm>>
        %dma_wait3A_25 = tpu.memref_squeeze %dma_wait3A_24 : memref<1x40x128xi32, #tpu.memory_space<hbm>> -> memref<40x128xi32, #tpu.memory_space<hbm>>
        %dma_wait3A_26 = arith.constant 0 : i32
        %dma_wait3A_27 = tpu.memref_slice %arg3[%add3A, %mul3A_11, %dma_wait3A_26] : memref<32x80x128xi32, #tpu.memory_space<hbm>> -> memref<1x40x128xi32, #tpu.memory_space<hbm>>
        %dma_wait3A_28 = tpu.memref_squeeze %dma_wait3A_27 : memref<1x40x128xi32, #tpu.memory_space<hbm>> -> memref<40x128xi32, #tpu.memory_space<hbm>>
        tpu.wait_dma2 semaphore(%run_scoped3A : memref<!tpu.dma_semaphore, #tpu.memory_space<semaphore_mem>>) src(%dma_wait3A_28 : memref<40x128xi32, #tpu.memory_space<hbm>>) dst(%arg7 : memref<40x128xi32, #tpu.memory_space<vmem>>)
        tpu.yield
      }) : () -> ()
      %mul3A_12 = arith.constant 40 : i32
      %mul3A_13 = arith.muli %scan3A_9, %mul3A_12 : i32
      "tpu.region"() ({
        %run_scoped3A = tpu.sem_alloc : memref<!tpu.dma_semaphore, #tpu.memory_space<semaphore_mem>>
        %dma_start3A = arith.constant 0 : i32
        %dma_start3A_19 = tpu.memref_slice %arg4[%add3A, %mul3A_13, %dma_start3A] : memref<32x80x128xi32, #tpu.memory_space<hbm>> -> memref<1x40x128xi32, #tpu.memory_space<hbm>>
        %dma_start3A_20 = tpu.memref_squeeze %dma_start3A_19 : memref<1x40x128xi32, #tpu.memory_space<hbm>> -> memref<40x128xi32, #tpu.memory_space<hbm>>
        %dma_start3A_21 = arith.constant 0 : i32
        %dma_start3A_22 = tpu.memref_slice %arg4[%add3A, %mul3A_13, %dma_start3A_21] : memref<32x80x128xi32, #tpu.memory_space<hbm>> -> memref<1x40x128xi32, #tpu.memory_space<hbm>>
        %dma_start3A_23 = tpu.memref_squeeze %dma_start3A_22 : memref<1x40x128xi32, #tpu.memory_space<hbm>> -> memref<40x128xi32, #tpu.memory_space<hbm>>
        tpu.enqueue_dma source(%dma_start3A_23 : memref<40x128xi32, #tpu.memory_space<hbm>>) target(%arg8 : memref<40x128xi32, #tpu.memory_space<vmem>>) target_semaphore(%run_scoped3A : memref<!tpu.dma_semaphore, #tpu.memory_space<semaphore_mem>>)
        %dma_wait3A = arith.constant 0 : i32
        %dma_wait3A_24 = tpu.memref_slice %arg4[%add3A, %mul3A_13, %dma_wait3A] : memref<32x80x128xi32, #tpu.memory_space<hbm>> -> memref<1x40x128xi32, #tpu.memory_space<hbm>>
        %dma_wait3A_25 = tpu.memref_squeeze %dma_wait3A_24 : memref<1x40x128xi32, #tpu.memory_space<hbm>> -> memref<40x128xi32, #tpu.memory_space<hbm>>
        %dma_wait3A_26 = arith.constant 0 : i32
        %dma_wait3A_27 = tpu.memref_slice %arg4[%add3A, %mul3A_13, %dma_wait3A_26] : memref<32x80x128xi32, #tpu.memory_space<hbm>> -> memref<1x40x128xi32, #tpu.memory_space<hbm>>
        %dma_wait3A_28 = tpu.memref_squeeze %dma_wait3A_27 : memref<1x40x128xi32, #tpu.memory_space<hbm>> -> memref<40x128xi32, #tpu.memory_space<hbm>>
        tpu.wait_dma2 semaphore(%run_scoped3A : memref<!tpu.dma_semaphore, #tpu.memory_space<semaphore_mem>>) src(%dma_wait3A_28 : memref<40x128xi32, #tpu.memory_space<hbm>>) dst(%arg8 : memref<40x128xi32, #tpu.memory_space<vmem>>)
        tpu.yield
      }) : () -> ()
      %scan3A_14 = arith.constant 0 : i32
      %scan3A_15 = arith.constant 20 : i32
      %scan3A_16 = arith.addi %scan3A_14, %scan3A_15 : i32
      %scan3A_17 = arith.constant 1 : i32
      scf.for %scan3A_19 = %scan3A_14 to %scan3A_16 step %scan3A_17  : i32 {
        %mul3A_20 = arith.constant 2 : i32
        %mul3A_21 = arith.muli %mul3A_20, %scan3A_19 : i32
        %dma_start3A = arith.constant 0 : i32
        %dma_start3A_22 = tpu.memref_slice %arg7[%mul3A_21, %dma_start3A] : memref<40x128xi32, #tpu.memory_space<vmem>> -> memref<1x128xi32, #tpu.memory_space<vmem>>
        %dma_start3A_23 = tpu.memref_squeeze %dma_start3A_22 : memref<1x128xi32, #tpu.memory_space<vmem>> -> memref<128xi32, #tpu.memory_space<vmem>>
        %dma_start3A_24 = arith.constant 0 : i32
        %dma_start3A_25 = arith.constant 0 : i32
        %dma_start3A_26 = tpu.memref_slice %arg2[%dma_start3A_24, %dma_start3A_25] : memref<10000x128xf32, #tpu.memory_space<hbm>> -> memref<10000x128xf32, #tpu.memory_space<hbm>>
        tpu.enqueue_indirect_dma source(%dma_start3A_26 : memref<10000x128xf32, #tpu.memory_space<hbm>>) target(%arg9 : memref<128x128xf32, #tpu.memory_space<vmem>>) offsets(%dma_start3A_23 : memref<128xi32, #tpu.memory_space<vmem>>) semaphore(%arg12 : memref<!tpu.dma_semaphore, #tpu.memory_space<semaphore_mem>>)
        %add3A_27 = arith.constant 1 : i32
        %add3A_28 = arith.addi %mul3A_21, %add3A_27 : i32
        %dma_start3A_29 = arith.constant 0 : i32
        %dma_start3A_30 = tpu.memref_slice %arg7[%add3A_28, %dma_start3A_29] : memref<40x128xi32, #tpu.memory_space<vmem>> -> memref<1x128xi32, #tpu.memory_space<vmem>>
        %dma_start3A_31 = tpu.memref_squeeze %dma_start3A_30 : memref<1x128xi32, #tpu.memory_space<vmem>> -> memref<128xi32, #tpu.memory_space<vmem>>
        %dma_start3A_32 = arith.constant 0 : i32
        %dma_start3A_33 = arith.constant 0 : i32
        %dma_start3A_34 = tpu.memref_slice %arg2[%dma_start3A_32, %dma_start3A_33] : memref<10000x128xf32, #tpu.memory_space<hbm>> -> memref<10000x128xf32, #tpu.memory_space<hbm>>
        tpu.enqueue_indirect_dma source(%dma_start3A_34 : memref<10000x128xf32, #tpu.memory_space<hbm>>) target(%arg10 : memref<128x128xf32, #tpu.memory_space<vmem>>) offsets(%dma_start3A_31 : memref<128xi32, #tpu.memory_space<vmem>>) semaphore(%arg13 : memref<!tpu.dma_semaphore, #tpu.memory_space<semaphore_mem>>)
        %dma_wait3A = arith.constant 0 : i32
        %dma_wait3A_35 = tpu.memref_slice %arg7[%mul3A_21, %dma_wait3A] : memref<40x128xi32, #tpu.memory_space<vmem>> -> memref<1x128xi32, #tpu.memory_space<vmem>>
        %dma_wait3A_36 = tpu.memref_squeeze %dma_wait3A_35 : memref<1x128xi32, #tpu.memory_space<vmem>> -> memref<128xi32, #tpu.memory_space<vmem>>
        %dma_wait3A_37 = arith.constant 0 : i32
        %dma_wait3A_38 = arith.constant 0 : i32
        %dma_wait3A_39 = tpu.memref_slice %arg2[%dma_wait3A_37, %dma_wait3A_38] : memref<10000x128xf32, #tpu.memory_space<hbm>> -> memref<10000x128xf32, #tpu.memory_space<hbm>>
        tpu.wait_indirect_dma semaphore(%arg12 : memref<!tpu.dma_semaphore, #tpu.memory_space<semaphore_mem>>) src(%dma_wait3A_39 : memref<10000x128xf32, #tpu.memory_space<hbm>>) dst(%arg9 : memref<128x128xf32, #tpu.memory_space<vmem>>)
        "tpu.region"() ({
          %run_scoped3A = tpu.sem_alloc : memref<!tpu.dma_semaphore, #tpu.memory_space<semaphore_mem>>
          %dma_start3A_48 = arith.constant 0 : i32
          %dma_start3A_49 = tpu.memref_slice %arg8[%mul3A_21, %dma_start3A_48] : memref<40x128xi32, #tpu.memory_space<vmem>> -> memref<1x128xi32, #tpu.memory_space<vmem>>
          %dma_start3A_50 = tpu.memref_squeeze %dma_start3A_49 : memref<1x128xi32, #tpu.memory_space<vmem>> -> memref<128xi32, #tpu.memory_space<vmem>>
          %dma_start3A_51 = arith.constant 0 : i32
          %dma_start3A_52 = arith.constant 0 : i32
          %dma_start3A_53 = tpu.memref_slice %arg11[%dma_start3A_51, %dma_start3A_52] : memref<10240x128xf32, #tpu.memory_space<vmem_shared>> -> memref<10240x128xf32, #tpu.memory_space<vmem_shared>>
          tpu.enqueue_indirect_dma source(%arg9 : memref<128x128xf32, #tpu.memory_space<vmem>>) target(%dma_start3A_53 : memref<10240x128xf32, #tpu.memory_space<vmem_shared>>) offsets(%dma_start3A_50 : memref<128xi32, #tpu.memory_space<vmem>>) semaphore(%run_scoped3A : memref<!tpu.dma_semaphore, #tpu.memory_space<semaphore_mem>>) {add = true}
          %dma_wait3A_54 = arith.constant 0 : i32
          %dma_wait3A_55 = tpu.memref_slice %arg8[%mul3A_21, %dma_wait3A_54] : memref<40x128xi32, #tpu.memory_space<vmem>> -> memref<1x128xi32, #tpu.memory_space<vmem>>
          %dma_wait3A_56 = tpu.memref_squeeze %dma_wait3A_55 : memref<1x128xi32, #tpu.memory_space<vmem>> -> memref<128xi32, #tpu.memory_space<vmem>>
          %dma_wait3A_57 = arith.constant 0 : i32
          %dma_wait3A_58 = arith.constant 0 : i32
          %dma_wait3A_59 = tpu.memref_slice %arg11[%dma_wait3A_57, %dma_wait3A_58] : memref<10240x128xf32, #tpu.memory_space<vmem_shared>> -> memref<10240x128xf32, #tpu.memory_space<vmem_shared>>
          tpu.wait_indirect_dma semaphore(%run_scoped3A : memref<!tpu.dma_semaphore, #tpu.memory_space<semaphore_mem>>) src(%arg9 : memref<128x128xf32, #tpu.memory_space<vmem>>) dst(%dma_wait3A_59 : memref<10240x128xf32, #tpu.memory_space<vmem_shared>>)
          tpu.yield
        }) : () -> ()
        %dma_wait3A_40 = arith.constant 0 : i32
        %dma_wait3A_41 = tpu.memref_slice %arg7[%add3A_28, %dma_wait3A_40] : memref<40x128xi32, #tpu.memory_space<vmem>> -> memref<1x128xi32, #tpu.memory_space<vmem>>
        %dma_wait3A_42 = tpu.memref_squeeze %dma_wait3A_41 : memref<1x128xi32, #tpu.memory_space<vmem>> -> memref<128xi32, #tpu.memory_space<vmem>>
        %dma_wait3A_43 = arith.constant 0 : i32
        %dma_wait3A_44 = arith.constant 0 : i32
        %dma_wait3A_45 = tpu.memref_slice %arg2[%dma_wait3A_43, %dma_wait3A_44] : memref<10000x128xf32, #tpu.memory_space<hbm>> -> memref<10000x128xf32, #tpu.memory_space<hbm>>
        tpu.wait_indirect_dma semaphore(%arg13 : memref<!tpu.dma_semaphore, #tpu.memory_space<semaphore_mem>>) src(%dma_wait3A_45 : memref<10000x128xf32, #tpu.memory_space<hbm>>) dst(%arg10 : memref<128x128xf32, #tpu.memory_space<vmem>>)
        %add3A_46 = arith.constant 1 : i32
        %add3A_47 = arith.addi %mul3A_21, %add3A_46 : i32
        "tpu.region"() ({
          %run_scoped3A = tpu.sem_alloc : memref<!tpu.dma_semaphore, #tpu.memory_space<semaphore_mem>>
          %dma_start3A_48 = arith.constant 0 : i32
          %dma_start3A_49 = tpu.memref_slice %arg8[%add3A_47, %dma_start3A_48] : memref<40x128xi32, #tpu.memory_space<vmem>> -> memref<1x128xi32, #tpu.memory_space<vmem>>
          %dma_start3A_50 = tpu.memref_squeeze %dma_start3A_49 : memref<1x128xi32, #tpu.memory_space<vmem>> -> memref<128xi32, #tpu.memory_space<vmem>>
          %dma_start3A_51 = arith.constant 0 : i32
          %dma_start3A_52 = arith.constant 0 : i32
          %dma_start3A_53 = tpu.memref_slice %arg11[%dma_start3A_51, %dma_start3A_52] : memref<10240x128xf32, #tpu.memory_space<vmem_shared>> -> memref<10240x128xf32, #tpu.memory_space<vmem_shared>>
          tpu.enqueue_indirect_dma source(%arg10 : memref<128x128xf32, #tpu.memory_space<vmem>>) target(%dma_start3A_53 : memref<10240x128xf32, #tpu.memory_space<vmem_shared>>) offsets(%dma_start3A_50 : memref<128xi32, #tpu.memory_space<vmem>>) semaphore(%run_scoped3A : memref<!tpu.dma_semaphore, #tpu.memory_space<semaphore_mem>>) {add = true}
          %dma_wait3A_54 = arith.constant 0 : i32
          %dma_wait3A_55 = tpu.memref_slice %arg8[%add3A_47, %dma_wait3A_54] : memref<40x128xi32, #tpu.memory_space<vmem>> -> memref<1x128xi32, #tpu.memory_space<vmem>>
          %dma_wait3A_56 = tpu.memref_squeeze %dma_wait3A_55 : memref<1x128xi32, #tpu.memory_space<vmem>> -> memref<128xi32, #tpu.memory_space<vmem>>
          %dma_wait3A_57 = arith.constant 0 : i32
          %dma_wait3A_58 = arith.constant 0 : i32
          %dma_wait3A_59 = tpu.memref_slice %arg11[%dma_wait3A_57, %dma_wait3A_58] : memref<10240x128xf32, #tpu.memory_space<vmem_shared>> -> memref<10240x128xf32, #tpu.memory_space<vmem_shared>>
          tpu.wait_indirect_dma semaphore(%run_scoped3A : memref<!tpu.dma_semaphore, #tpu.memory_space<semaphore_mem>>) src(%arg10 : memref<128x128xf32, #tpu.memory_space<vmem>>) dst(%dma_wait3A_59 : memref<10240x128xf32, #tpu.memory_space<vmem_shared>>)
          tpu.yield
        }) : () -> ()
      }
      %scan3A_18 = arith.constant 20 : i32
    }
    %scan3A_7 = arith.constant 2 : i32
    %barrier3A_8 = arith.constant 0 : index
    tpu.barrier barrier_id(%barrier3A_8)
    "tpu.region"() ({
      %run_scoped3A = tpu.sem_alloc : memref<!tpu.dma_semaphore, #tpu.memory_space<semaphore_mem>>
      %dma_start3A = arith.constant 0 : i32
      %dma_start3A_9 = tpu.memref_slice %arg6[%arg0, %mul3A_2, %dma_start3A] : memref<2x10240x128xf32, #tpu.memory_space<hbm>> -> memref<1x640x128xf32, #tpu.memory_space<hbm>>
      %dma_start3A_10 = tpu.memref_squeeze %dma_start3A_9 : memref<1x640x128xf32, #tpu.memory_space<hbm>> -> memref<640x128xf32, #tpu.memory_space<hbm>>
      %dma_start3A_11 = arith.constant 0 : i32
      %dma_start3A_12 = tpu.memref_slice %arg11[%mul3A_2, %dma_start3A_11] : memref<10240x128xf32, #tpu.memory_space<vmem_shared>> -> memref<640x128xf32, #tpu.memory_space<vmem_shared>>
      tpu.enqueue_dma source(%dma_start3A_12 : memref<640x128xf32, #tpu.memory_space<vmem_shared>>) target(%dma_start3A_10 : memref<640x128xf32, #tpu.memory_space<hbm>>) target_semaphore(%run_scoped3A : memref<!tpu.dma_semaphore, #tpu.memory_space<semaphore_mem>>)
      %dma_wait3A = arith.constant 0 : i32
      %dma_wait3A_13 = tpu.memref_slice %arg6[%arg0, %mul3A_2, %dma_wait3A] : memref<2x10240x128xf32, #tpu.memory_space<hbm>> -> memref<1x640x128xf32, #tpu.memory_space<hbm>>
      %dma_wait3A_14 = tpu.memref_squeeze %dma_wait3A_13 : memref<1x640x128xf32, #tpu.memory_space<hbm>> -> memref<640x128xf32, #tpu.memory_space<hbm>>
      %dma_wait3A_15 = arith.constant 0 : i32
      %dma_wait3A_16 = tpu.memref_slice %arg11[%mul3A_2, %dma_wait3A_15] : memref<10240x128xf32, #tpu.memory_space<vmem_shared>> -> memref<640x128xf32, #tpu.memory_space<vmem_shared>>
      tpu.wait_dma2 semaphore(%run_scoped3A : memref<!tpu.dma_semaphore, #tpu.memory_space<semaphore_mem>>) src(%dma_wait3A_16 : memref<640x128xf32, #tpu.memory_space<vmem_shared>>) dst(%dma_wait3A_14 : memref<640x128xf32, #tpu.memory_space<hbm>>)
      tpu.yield
    }) : () -> ()
    return
  }
}

module attributes {stable_mosaic.version = 14 : i64} {
  func.func @_tc_layer_body(%arg0: memref<10000x128xf32, #tpu.memory_space<vmem>>, %arg1: memref<2x10240x128xf32, #tpu.memory_space<vmem>>, %arg2: memref<1x1xf32, #tpu.memory_space<smem>>, %arg3: memref<128x128xf32, #tpu.memory_space<vmem>>, %arg4: memref<1x128xf32, #tpu.memory_space<vmem>>, %arg5: memref<1x128xf32, #tpu.memory_space<vmem>>, %arg6: memref<1x128xf32, #tpu.memory_space<vmem>>, %arg7: memref<128x128xf32, #tpu.memory_space<vmem>>, %arg8: memref<1x128xf32, #tpu.memory_space<vmem>>, %arg9: memref<1x128xf32, #tpu.memory_space<vmem>>, %arg10: memref<1x128xf32, #tpu.memory_space<vmem>>, %arg11: memref<10000x128xf32, #tpu.memory_space<vmem>>) attributes {dimension_semantics = [], scalar_prefetch = 0 : i64, scratch_operands = 0 : i64, tpu.core_type = #tpu.core_type<tc>} {
    %get3A = arith.constant 0 : index
    %get3A_0 = arith.constant 0 : index
    %get3A_1 = vector.load %arg0[%get3A, %get3A_0] : memref<10000x128xf32, #tpu.memory_space<vmem>>, vector<10000x128xf32>
    %get3A_2 = arith.constant 0 : index
    %get3A_3 = arith.constant 0 : index
    %get3A_4 = memref.load %arg2[%get3A_2, %get3A_3] : memref<1x1xf32, #tpu.memory_space<smem>>
    %mul3A = vector.broadcast %get3A_4 : f32 to vector<10000x128xf32>
    %mul3A_5 = arith.mulf %get3A_1, %mul3A : vector<10000x128xf32>
    %get3A_6 = arith.constant 0 : index
    %get3A_7 = arith.constant 0 : index
    %get3A_8 = arith.constant 0 : index
    %get3A_9 = vector.load %arg1[%get3A_6, %get3A_7, %get3A_8] : memref<2x10240x128xf32, #tpu.memory_space<vmem>>, vector<1x10000x128xf32>
    %get3A_10 = vector.shape_cast %get3A_9 : vector<1x10000x128xf32> to vector<10000x128xf32>
    %add3A = arith.addf %mul3A_5, %get3A_10 : vector<10000x128xf32>
    %get3A_11 = arith.constant 1 : index
    %get3A_12 = arith.constant 0 : index
    %get3A_13 = arith.constant 0 : index
    %get3A_14 = vector.load %arg1[%get3A_11, %get3A_12, %get3A_13] : memref<2x10240x128xf32, #tpu.memory_space<vmem>>, vector<1x10000x128xf32>
    %get3A_15 = vector.shape_cast %get3A_14 : vector<1x10000x128xf32> to vector<10000x128xf32>
    %add3A_16 = arith.addf %add3A, %get3A_15 : vector<10000x128xf32>
    %get3A_17 = arith.constant 0 : index
    %get3A_18 = arith.constant 0 : index
    %get3A_19 = vector.load %arg3[%get3A_17, %get3A_18] : memref<128x128xf32, #tpu.memory_space<vmem>>, vector<128x128xf32>
    %dot_general3A = arith.constant dense<0.000000e+00> : vector<10000x128xf32>
    %dot_general3A_20 = tpu.matmul %add3A_16, %get3A_19, %dot_general3A {dimension_numbers = #tpu.dot_dimension_numbers<[1], [0], [0], [1], [0, 0, 1, 1], [], []>, transpose_lhs_hint = false} : vector<10000x128xf32>, vector<128x128xf32>, vector<10000x128xf32> -> vector<10000x128xf32>
    %get3A_21 = arith.constant 0 : index
    %get3A_22 = arith.constant 0 : index
    %get3A_23 = vector.load %arg4[%get3A_21, %get3A_22] : memref<1x128xf32, #tpu.memory_space<vmem>>, vector<1x128xf32>
    %add3A_24 = vector.broadcast %get3A_23 : vector<1x128xf32> to vector<10000x128xf32>
    %add3A_25 = arith.addf %dot_general3A_20, %add3A_24 : vector<10000x128xf32>
    %reduce_sum3A = arith.constant dense<0.000000e+00> : vector<128xf32>
    %reduce_sum3A_26 = vector.multi_reduction <add>, %add3A_25, %reduce_sum3A [0] : vector<10000x128xf32> to vector<128xf32>
    %broadcast_in_dim3A = vector.shape_cast %reduce_sum3A_26 : vector<128xf32> to vector<1x128xf32>
    %div3A = arith.constant 1.000000e+04 : f32
    %div3A_27 = vector.broadcast %div3A : f32 to vector<1x128xf32>
    %div3A_28 = arith.divf %broadcast_in_dim3A, %div3A_27 : vector<1x128xf32>
    %sub3A = vector.broadcast %div3A_28 : vector<1x128xf32> to vector<10000x128xf32>
    %sub3A_29 = arith.subf %add3A_25, %sub3A : vector<10000x128xf32>
    %integer_pow3A = arith.mulf %sub3A_29, %sub3A_29 : vector<10000x128xf32>
    %reduce_sum3A_30 = arith.constant dense<0.000000e+00> : vector<128xf32>
    %reduce_sum3A_31 = vector.multi_reduction <add>, %integer_pow3A, %reduce_sum3A_30 [0] : vector<10000x128xf32> to vector<128xf32>
    %broadcast_in_dim3A_32 = vector.shape_cast %reduce_sum3A_31 : vector<128xf32> to vector<1x128xf32>
    %div3A_33 = arith.constant 1.000000e+04 : f32
    %div3A_34 = vector.broadcast %div3A_33 : f32 to vector<1x128xf32>
    %div3A_35 = arith.divf %broadcast_in_dim3A_32, %div3A_34 : vector<1x128xf32>
    %get3A_36 = arith.constant 0 : index
    %get3A_37 = arith.constant 0 : index
    %get3A_38 = vector.load %arg5[%get3A_36, %get3A_37] : memref<1x128xf32, #tpu.memory_space<vmem>>, vector<1x128xf32>
    %sub3A_39 = vector.broadcast %div3A_28 : vector<1x128xf32> to vector<10000x128xf32>
    %sub3A_40 = arith.subf %add3A_25, %sub3A_39 : vector<10000x128xf32>
    %mul3A_41 = vector.broadcast %get3A_38 : vector<1x128xf32> to vector<10000x128xf32>
    %mul3A_42 = arith.mulf %mul3A_41, %sub3A_40 : vector<10000x128xf32>
    %add3A_43 = arith.constant 9.99999974E-6 : f32
    %add3A_44 = vector.broadcast %add3A_43 : f32 to vector<1x128xf32>
    %add3A_45 = arith.addf %div3A_35, %add3A_44 : vector<1x128xf32>
    %sqrt3A = math.sqrt %add3A_45 : vector<1x128xf32>
    %div3A_46 = vector.broadcast %sqrt3A : vector<1x128xf32> to vector<10000x128xf32>
    %div3A_47 = arith.divf %mul3A_42, %div3A_46 : vector<10000x128xf32>
    %get3A_48 = arith.constant 0 : index
    %get3A_49 = arith.constant 0 : index
    %get3A_50 = vector.load %arg6[%get3A_48, %get3A_49] : memref<1x128xf32, #tpu.memory_space<vmem>>, vector<1x128xf32>
    %add3A_51 = vector.broadcast %get3A_50 : vector<1x128xf32> to vector<10000x128xf32>
    %add3A_52 = arith.addf %div3A_47, %add3A_51 : vector<10000x128xf32>
    %max3A = arith.constant 0.000000e+00 : f32
    %max3A_53 = vector.broadcast %max3A : f32 to vector<10000x128xf32>
    %max3A_54 = arith.maximumf %add3A_52, %max3A_53 : vector<10000x128xf32>
    %get3A_55 = arith.constant 0 : index
    %get3A_56 = arith.constant 0 : index
    %get3A_57 = vector.load %arg7[%get3A_55, %get3A_56] : memref<128x128xf32, #tpu.memory_space<vmem>>, vector<128x128xf32>
    %dot_general3A_58 = arith.constant dense<0.000000e+00> : vector<10000x128xf32>
    %dot_general3A_59 = tpu.matmul %max3A_54, %get3A_57, %dot_general3A_58 {dimension_numbers = #tpu.dot_dimension_numbers<[1], [0], [0], [1], [0, 0, 1, 1], [], []>, transpose_lhs_hint = false} : vector<10000x128xf32>, vector<128x128xf32>, vector<10000x128xf32> -> vector<10000x128xf32>
    %get3A_60 = arith.constant 0 : index
    %get3A_61 = arith.constant 0 : index
    %get3A_62 = vector.load %arg8[%get3A_60, %get3A_61] : memref<1x128xf32, #tpu.memory_space<vmem>>, vector<1x128xf32>
    %add3A_63 = vector.broadcast %get3A_62 : vector<1x128xf32> to vector<10000x128xf32>
    %add3A_64 = arith.addf %dot_general3A_59, %add3A_63 : vector<10000x128xf32>
    %reduce_sum3A_65 = arith.constant dense<0.000000e+00> : vector<128xf32>
    %reduce_sum3A_66 = vector.multi_reduction <add>, %add3A_64, %reduce_sum3A_65 [0] : vector<10000x128xf32> to vector<128xf32>
    %broadcast_in_dim3A_67 = vector.shape_cast %reduce_sum3A_66 : vector<128xf32> to vector<1x128xf32>
    %div3A_68 = arith.constant 1.000000e+04 : f32
    %div3A_69 = vector.broadcast %div3A_68 : f32 to vector<1x128xf32>
    %div3A_70 = arith.divf %broadcast_in_dim3A_67, %div3A_69 : vector<1x128xf32>
    %sub3A_71 = vector.broadcast %div3A_70 : vector<1x128xf32> to vector<10000x128xf32>
    %sub3A_72 = arith.subf %add3A_64, %sub3A_71 : vector<10000x128xf32>
    %integer_pow3A_73 = arith.mulf %sub3A_72, %sub3A_72 : vector<10000x128xf32>
    %reduce_sum3A_74 = arith.constant dense<0.000000e+00> : vector<128xf32>
    %reduce_sum3A_75 = vector.multi_reduction <add>, %integer_pow3A_73, %reduce_sum3A_74 [0] : vector<10000x128xf32> to vector<128xf32>
    %broadcast_in_dim3A_76 = vector.shape_cast %reduce_sum3A_75 : vector<128xf32> to vector<1x128xf32>
    %div3A_77 = arith.constant 1.000000e+04 : f32
    %div3A_78 = vector.broadcast %div3A_77 : f32 to vector<1x128xf32>
    %div3A_79 = arith.divf %broadcast_in_dim3A_76, %div3A_78 : vector<1x128xf32>
    %get3A_80 = arith.constant 0 : index
    %get3A_81 = arith.constant 0 : index
    %get3A_82 = vector.load %arg9[%get3A_80, %get3A_81] : memref<1x128xf32, #tpu.memory_space<vmem>>, vector<1x128xf32>
    %sub3A_83 = vector.broadcast %div3A_70 : vector<1x128xf32> to vector<10000x128xf32>
    %sub3A_84 = arith.subf %add3A_64, %sub3A_83 : vector<10000x128xf32>
    %mul3A_85 = vector.broadcast %get3A_82 : vector<1x128xf32> to vector<10000x128xf32>
    %mul3A_86 = arith.mulf %mul3A_85, %sub3A_84 : vector<10000x128xf32>
    %add3A_87 = arith.constant 9.99999974E-6 : f32
    %add3A_88 = vector.broadcast %add3A_87 : f32 to vector<1x128xf32>
    %add3A_89 = arith.addf %div3A_79, %add3A_88 : vector<1x128xf32>
    %sqrt3A_90 = math.sqrt %add3A_89 : vector<1x128xf32>
    %div3A_91 = vector.broadcast %sqrt3A_90 : vector<1x128xf32> to vector<10000x128xf32>
    %div3A_92 = arith.divf %mul3A_86, %div3A_91 : vector<10000x128xf32>
    %get3A_93 = arith.constant 0 : index
    %get3A_94 = arith.constant 0 : index
    %get3A_95 = vector.load %arg10[%get3A_93, %get3A_94] : memref<1x128xf32, #tpu.memory_space<vmem>>, vector<1x128xf32>
    %add3A_96 = vector.broadcast %get3A_95 : vector<1x128xf32> to vector<10000x128xf32>
    %add3A_97 = arith.addf %div3A_92, %add3A_96 : vector<10000x128xf32>
    %max3A_98 = arith.constant 0.000000e+00 : f32
    %max3A_99 = vector.broadcast %max3A_98 : f32 to vector<10000x128xf32>
    %max3A_100 = arith.maximumf %add3A_97, %max3A_99 : vector<10000x128xf32>
    %swap3A = arith.constant 0 : index
    %swap3A_101 = arith.constant 0 : index
    %swap3A_102 = vector.load %arg11[%swap3A, %swap3A_101] : memref<10000x128xf32, #tpu.memory_space<vmem>>, vector<10000x128xf32>
    tpu.vector_store %arg11[%swap3A, %swap3A_101], %max3A_100 {strides = array<i32>} : memref<10000x128xf32, #tpu.memory_space<vmem>>, vector<10000x128xf32>,
    return
  }
}

module attributes {stable_mosaic.version = 14 : i64} {
  func.func @_tc_final_body(%arg0: memref<10000x128xf32, #tpu.memory_space<vmem>>, %arg1: memref<2x10240x128xf32, #tpu.memory_space<vmem>>, %arg2: memref<1x1xf32, #tpu.memory_space<smem>>, %arg3: memref<128x128xf32, #tpu.memory_space<vmem>>, %arg4: memref<1x128xf32, #tpu.memory_space<vmem>>, %arg5: memref<1x128xf32, #tpu.memory_space<vmem>>, %arg6: memref<1x128xf32, #tpu.memory_space<vmem>>, %arg7: memref<128x128xf32, #tpu.memory_space<vmem>>, %arg8: memref<1x128xf32, #tpu.memory_space<vmem>>, %arg9: memref<1x128xf32, #tpu.memory_space<vmem>>, %arg10: memref<1x128xf32, #tpu.memory_space<vmem>>, %arg11: memref<128x128xf32, #tpu.memory_space<vmem>>, %arg12: memref<1x128xf32, #tpu.memory_space<vmem>>, %arg13: memref<128x10xf32, #tpu.memory_space<vmem>>, %arg14: memref<1x10xf32, #tpu.memory_space<vmem>>, %arg15: memref<10000x10xf32, #tpu.memory_space<vmem>>) attributes {dimension_semantics = [], scalar_prefetch = 0 : i64, scratch_operands = 0 : i64, tpu.core_type = #tpu.core_type<tc>} {
    %get3A = arith.constant 0 : index
    %get3A_0 = arith.constant 0 : index
    %get3A_1 = vector.load %arg0[%get3A, %get3A_0] : memref<10000x128xf32, #tpu.memory_space<vmem>>, vector<10000x128xf32>
    %get3A_2 = arith.constant 0 : index
    %get3A_3 = arith.constant 0 : index
    %get3A_4 = memref.load %arg2[%get3A_2, %get3A_3] : memref<1x1xf32, #tpu.memory_space<smem>>
    %mul3A = vector.broadcast %get3A_4 : f32 to vector<10000x128xf32>
    %mul3A_5 = arith.mulf %get3A_1, %mul3A : vector<10000x128xf32>
    %get3A_6 = arith.constant 0 : index
    %get3A_7 = arith.constant 0 : index
    %get3A_8 = arith.constant 0 : index
    %get3A_9 = vector.load %arg1[%get3A_6, %get3A_7, %get3A_8] : memref<2x10240x128xf32, #tpu.memory_space<vmem>>, vector<1x10000x128xf32>
    %get3A_10 = vector.shape_cast %get3A_9 : vector<1x10000x128xf32> to vector<10000x128xf32>
    %add3A = arith.addf %mul3A_5, %get3A_10 : vector<10000x128xf32>
    %get3A_11 = arith.constant 1 : index
    %get3A_12 = arith.constant 0 : index
    %get3A_13 = arith.constant 0 : index
    %get3A_14 = vector.load %arg1[%get3A_11, %get3A_12, %get3A_13] : memref<2x10240x128xf32, #tpu.memory_space<vmem>>, vector<1x10000x128xf32>
    %get3A_15 = vector.shape_cast %get3A_14 : vector<1x10000x128xf32> to vector<10000x128xf32>
    %add3A_16 = arith.addf %add3A, %get3A_15 : vector<10000x128xf32>
    %get3A_17 = arith.constant 0 : index
    %get3A_18 = arith.constant 0 : index
    %get3A_19 = vector.load %arg3[%get3A_17, %get3A_18] : memref<128x128xf32, #tpu.memory_space<vmem>>, vector<128x128xf32>
    %dot_general3A = arith.constant dense<0.000000e+00> : vector<10000x128xf32>
    %dot_general3A_20 = tpu.matmul %add3A_16, %get3A_19, %dot_general3A {dimension_numbers = #tpu.dot_dimension_numbers<[1], [0], [0], [1], [0, 0, 1, 1], [], []>, transpose_lhs_hint = false} : vector<10000x128xf32>, vector<128x128xf32>, vector<10000x128xf32> -> vector<10000x128xf32>
    %get3A_21 = arith.constant 0 : index
    %get3A_22 = arith.constant 0 : index
    %get3A_23 = vector.load %arg4[%get3A_21, %get3A_22] : memref<1x128xf32, #tpu.memory_space<vmem>>, vector<1x128xf32>
    %add3A_24 = vector.broadcast %get3A_23 : vector<1x128xf32> to vector<10000x128xf32>
    %add3A_25 = arith.addf %dot_general3A_20, %add3A_24 : vector<10000x128xf32>
    %reduce_sum3A = arith.constant dense<0.000000e+00> : vector<128xf32>
    %reduce_sum3A_26 = vector.multi_reduction <add>, %add3A_25, %reduce_sum3A [0] : vector<10000x128xf32> to vector<128xf32>
    %broadcast_in_dim3A = vector.shape_cast %reduce_sum3A_26 : vector<128xf32> to vector<1x128xf32>
    %div3A = arith.constant 1.000000e+04 : f32
    %div3A_27 = vector.broadcast %div3A : f32 to vector<1x128xf32>
    %div3A_28 = arith.divf %broadcast_in_dim3A, %div3A_27 : vector<1x128xf32>
    %sub3A = vector.broadcast %div3A_28 : vector<1x128xf32> to vector<10000x128xf32>
    %sub3A_29 = arith.subf %add3A_25, %sub3A : vector<10000x128xf32>
    %integer_pow3A = arith.mulf %sub3A_29, %sub3A_29 : vector<10000x128xf32>
    %reduce_sum3A_30 = arith.constant dense<0.000000e+00> : vector<128xf32>
    %reduce_sum3A_31 = vector.multi_reduction <add>, %integer_pow3A, %reduce_sum3A_30 [0] : vector<10000x128xf32> to vector<128xf32>
    %broadcast_in_dim3A_32 = vector.shape_cast %reduce_sum3A_31 : vector<128xf32> to vector<1x128xf32>
    %div3A_33 = arith.constant 1.000000e+04 : f32
    %div3A_34 = vector.broadcast %div3A_33 : f32 to vector<1x128xf32>
    %div3A_35 = arith.divf %broadcast_in_dim3A_32, %div3A_34 : vector<1x128xf32>
    %get3A_36 = arith.constant 0 : index
    %get3A_37 = arith.constant 0 : index
    %get3A_38 = vector.load %arg5[%get3A_36, %get3A_37] : memref<1x128xf32, #tpu.memory_space<vmem>>, vector<1x128xf32>
    %sub3A_39 = vector.broadcast %div3A_28 : vector<1x128xf32> to vector<10000x128xf32>
    %sub3A_40 = arith.subf %add3A_25, %sub3A_39 : vector<10000x128xf32>
    %mul3A_41 = vector.broadcast %get3A_38 : vector<1x128xf32> to vector<10000x128xf32>
    %mul3A_42 = arith.mulf %mul3A_41, %sub3A_40 : vector<10000x128xf32>
    %add3A_43 = arith.constant 9.99999974E-6 : f32
    %add3A_44 = vector.broadcast %add3A_43 : f32 to vector<1x128xf32>
    %add3A_45 = arith.addf %div3A_35, %add3A_44 : vector<1x128xf32>
    %sqrt3A = math.sqrt %add3A_45 : vector<1x128xf32>
    %div3A_46 = vector.broadcast %sqrt3A : vector<1x128xf32> to vector<10000x128xf32>
    %div3A_47 = arith.divf %mul3A_42, %div3A_46 : vector<10000x128xf32>
    %get3A_48 = arith.constant 0 : index
    %get3A_49 = arith.constant 0 : index
    %get3A_50 = vector.load %arg6[%get3A_48, %get3A_49] : memref<1x128xf32, #tpu.memory_space<vmem>>, vector<1x128xf32>
    %add3A_51 = vector.broadcast %get3A_50 : vector<1x128xf32> to vector<10000x128xf32>
    %add3A_52 = arith.addf %div3A_47, %add3A_51 : vector<10000x128xf32>
    %max3A = arith.constant 0.000000e+00 : f32
    %max3A_53 = vector.broadcast %max3A : f32 to vector<10000x128xf32>
    %max3A_54 = arith.maximumf %add3A_52, %max3A_53 : vector<10000x128xf32>
    %get3A_55 = arith.constant 0 : index
    %get3A_56 = arith.constant 0 : index
    %get3A_57 = vector.load %arg7[%get3A_55, %get3A_56] : memref<128x128xf32, #tpu.memory_space<vmem>>, vector<128x128xf32>
    %dot_general3A_58 = arith.constant dense<0.000000e+00> : vector<10000x128xf32>
    %dot_general3A_59 = tpu.matmul %max3A_54, %get3A_57, %dot_general3A_58 {dimension_numbers = #tpu.dot_dimension_numbers<[1], [0], [0], [1], [0, 0, 1, 1], [], []>, transpose_lhs_hint = false} : vector<10000x128xf32>, vector<128x128xf32>, vector<10000x128xf32> -> vector<10000x128xf32>
    %get3A_60 = arith.constant 0 : index
    %get3A_61 = arith.constant 0 : index
    %get3A_62 = vector.load %arg8[%get3A_60, %get3A_61] : memref<1x128xf32, #tpu.memory_space<vmem>>, vector<1x128xf32>
    %add3A_63 = vector.broadcast %get3A_62 : vector<1x128xf32> to vector<10000x128xf32>
    %add3A_64 = arith.addf %dot_general3A_59, %add3A_63 : vector<10000x128xf32>
    %reduce_sum3A_65 = arith.constant dense<0.000000e+00> : vector<128xf32>
    %reduce_sum3A_66 = vector.multi_reduction <add>, %add3A_64, %reduce_sum3A_65 [0] : vector<10000x128xf32> to vector<128xf32>
    %broadcast_in_dim3A_67 = vector.shape_cast %reduce_sum3A_66 : vector<128xf32> to vector<1x128xf32>
    %div3A_68 = arith.constant 1.000000e+04 : f32
    %div3A_69 = vector.broadcast %div3A_68 : f32 to vector<1x128xf32>
    %div3A_70 = arith.divf %broadcast_in_dim3A_67, %div3A_69 : vector<1x128xf32>
    %sub3A_71 = vector.broadcast %div3A_70 : vector<1x128xf32> to vector<10000x128xf32>
    %sub3A_72 = arith.subf %add3A_64, %sub3A_71 : vector<10000x128xf32>
    %integer_pow3A_73 = arith.mulf %sub3A_72, %sub3A_72 : vector<10000x128xf32>
    %reduce_sum3A_74 = arith.constant dense<0.000000e+00> : vector<128xf32>
    %reduce_sum3A_75 = vector.multi_reduction <add>, %integer_pow3A_73, %reduce_sum3A_74 [0] : vector<10000x128xf32> to vector<128xf32>
    %broadcast_in_dim3A_76 = vector.shape_cast %reduce_sum3A_75 : vector<128xf32> to vector<1x128xf32>
    %div3A_77 = arith.constant 1.000000e+04 : f32
    %div3A_78 = vector.broadcast %div3A_77 : f32 to vector<1x128xf32>
    %div3A_79 = arith.divf %broadcast_in_dim3A_76, %div3A_78 : vector<1x128xf32>
    %get3A_80 = arith.constant 0 : index
    %get3A_81 = arith.constant 0 : index
    %get3A_82 = vector.load %arg9[%get3A_80, %get3A_81] : memref<1x128xf32, #tpu.memory_space<vmem>>, vector<1x128xf32>
    %sub3A_83 = vector.broadcast %div3A_70 : vector<1x128xf32> to vector<10000x128xf32>
    %sub3A_84 = arith.subf %add3A_64, %sub3A_83 : vector<10000x128xf32>
    %mul3A_85 = vector.broadcast %get3A_82 : vector<1x128xf32> to vector<10000x128xf32>
    %mul3A_86 = arith.mulf %mul3A_85, %sub3A_84 : vector<10000x128xf32>
    %add3A_87 = arith.constant 9.99999974E-6 : f32
    %add3A_88 = vector.broadcast %add3A_87 : f32 to vector<1x128xf32>
    %add3A_89 = arith.addf %div3A_79, %add3A_88 : vector<1x128xf32>
    %sqrt3A_90 = math.sqrt %add3A_89 : vector<1x128xf32>
    %div3A_91 = vector.broadcast %sqrt3A_90 : vector<1x128xf32> to vector<10000x128xf32>
    %div3A_92 = arith.divf %mul3A_86, %div3A_91 : vector<10000x128xf32>
    %get3A_93 = arith.constant 0 : index
    %get3A_94 = arith.constant 0 : index
    %get3A_95 = vector.load %arg10[%get3A_93, %get3A_94] : memref<1x128xf32, #tpu.memory_space<vmem>>, vector<1x128xf32>
    %add3A_96 = vector.broadcast %get3A_95 : vector<1x128xf32> to vector<10000x128xf32>
    %add3A_97 = arith.addf %div3A_92, %add3A_96 : vector<10000x128xf32>
    %max3A_98 = arith.constant 0.000000e+00 : f32
    %max3A_99 = vector.broadcast %max3A_98 : f32 to vector<10000x128xf32>
    %max3A_100 = arith.maximumf %add3A_97, %max3A_99 : vector<10000x128xf32>
    %get3A_101 = arith.constant 0 : index
    %get3A_102 = arith.constant 0 : index
    %get3A_103 = vector.load %arg11[%get3A_101, %get3A_102] : memref<128x128xf32, #tpu.memory_space<vmem>>, vector<128x128xf32>
    %dot_general3A_104 = arith.constant dense<0.000000e+00> : vector<10000x128xf32>
    %dot_general3A_105 = tpu.matmul %max3A_100, %get3A_103, %dot_general3A_104 {dimension_numbers = #tpu.dot_dimension_numbers<[1], [0], [0], [1], [0, 0, 1, 1], [], []>, transpose_lhs_hint = false} : vector<10000x128xf32>, vector<128x128xf32>, vector<10000x128xf32> -> vector<10000x128xf32>
    %get3A_106 = arith.constant 0 : index
    %get3A_107 = arith.constant 0 : index
    %get3A_108 = vector.load %arg12[%get3A_106, %get3A_107] : memref<1x128xf32, #tpu.memory_space<vmem>>, vector<1x128xf32>
    %add3A_109 = vector.broadcast %get3A_108 : vector<1x128xf32> to vector<10000x128xf32>
    %add3A_110 = arith.addf %dot_general3A_105, %add3A_109 : vector<10000x128xf32>
    %max3A_111 = arith.constant 0.000000e+00 : f32
    %max3A_112 = vector.broadcast %max3A_111 : f32 to vector<10000x128xf32>
    %max3A_113 = arith.maximumf %add3A_110, %max3A_112 : vector<10000x128xf32>
    %get3A_114 = arith.constant 0 : index
    %get3A_115 = arith.constant 0 : index
    %get3A_116 = vector.load %arg13[%get3A_114, %get3A_115] : memref<128x10xf32, #tpu.memory_space<vmem>>, vector<128x10xf32>
    %dot_general3A_117 = arith.constant dense<0.000000e+00> : vector<10000x10xf32>
    %dot_general3A_118 = tpu.matmul %max3A_113, %get3A_116, %dot_general3A_117 {dimension_numbers = #tpu.dot_dimension_numbers<[1], [0], [0], [1], [0, 0, 1, 1], [], []>, transpose_lhs_hint = false} : vector<10000x128xf32>, vector<128x10xf32>, vector<10000x10xf32> -> vector<10000x10xf32>
    %get3A_119 = arith.constant 0 : index
    %get3A_120 = arith.constant 0 : index
    %get3A_121 = vector.load %arg14[%get3A_119, %get3A_120] : memref<1x10xf32, #tpu.memory_space<vmem>>, vector<1x10xf32>
    %add3A_122 = vector.broadcast %get3A_121 : vector<1x10xf32> to vector<10000x10xf32>
    %add3A_123 = arith.addf %dot_general3A_118, %add3A_122 : vector<10000x10xf32>
    %reduce_max3A = arith.constant dense<0xFF800000> : vector<10000xf32>
    %reduce_max3A_124 = vector.multi_reduction <maximumf>, %add3A_123, %reduce_max3A [1] : vector<10000x10xf32> to vector<10000xf32>
    %broadcast_in_dim3A_125 = vector.shape_cast %reduce_max3A_124 : vector<10000xf32> to vector<10000x1xf32>
    %sub3A_126 = vector.broadcast %broadcast_in_dim3A_125 : vector<10000x1xf32> to vector<10000x10xf32>
    %sub3A_127 = arith.subf %add3A_123, %sub3A_126 : vector<10000x10xf32>
    %exp3A = math.exp %sub3A_127 : vector<10000x10xf32>
    %reduce_sum3A_128 = arith.constant dense<0.000000e+00> : vector<10000xf32>
    %reduce_sum3A_129 = vector.multi_reduction <add>, %exp3A, %reduce_sum3A_128 [1] : vector<10000x10xf32> to vector<10000xf32>
    %broadcast_in_dim3A_130 = vector.shape_cast %reduce_sum3A_129 : vector<10000xf32> to vector<10000x1xf32>
    %log3A = math.log %broadcast_in_dim3A_130 : vector<10000x1xf32>
    %add3A_131 = arith.addf %log3A, %broadcast_in_dim3A_125 : vector<10000x1xf32>
    %sub3A_132 = vector.broadcast %add3A_131 : vector<10000x1xf32> to vector<10000x10xf32>
    %sub3A_133 = arith.subf %add3A_123, %sub3A_132 : vector<10000x10xf32>
    %swap3A = arith.constant 0 : index
    %swap3A_134 = arith.constant 0 : index
    %swap3A_135 = vector.load %arg15[%swap3A, %swap3A_134] : memref<10000x10xf32, #tpu.memory_space<vmem>>, vector<10000x10xf32>
    tpu.vector_store %arg15[%swap3A, %swap3A_134], %sub3A_133 {strides = array<i32>} : memref<10000x10xf32, #tpu.memory_space<vmem>>, vector<10000x10xf32>,
    return
  }
}

</mosaic_0001>

<sc_bundles>
// kernel: kernel.11.cloned.1.call-start
scs
__scs_entry_jumppad:
0x0: {  	(pc) =	sbr.rel $0x88, $3  }
0x1: {  	(tag) =	ssettag $0x0;
	lr =	simm.s32 $0x1  }
0x2: {  	[smem:$0x3F80] =	sst lr;
	_ =	strace $0xD0000000  }
0x3: {  	_ = 	snop  }
0x4: {  	_ = 	snop  }
0x5: {  	_ = 	snop  }
0x6: {  	_ = 	snop  }
0x7: {  	_ = 	snop  }
__scs_overlays_trampoline_lowered:
0x8: {  	[smem:$0x3F8F] =	sst s0  }
0x9: {  	[smem:$0x3F90] =	sst s1  }
0xa: {  	[smem:$0x3F91] =	sst s2  }
0xb: {  	[smem:$0x3F92] =	sst s3  }
0xc: {  	[smem:$0x3F93] =	sst s4  }
0xd: {  	[smem:$0x3F94] =	sst s5  }
0xe: {  	[smem:$0x3F95] =	sst s6  }
0xf: {  	[smem:$0x3F96] =	sst s7  }
0x10: {  	[smem:$0x3F97] =	sst s8  }
0x11: {  	[smem:$0x3F98] =	sst s9;
	s0 =	simm.s32 @!p0 $0x0  }
0x12: {  	s1 =	sld [smem:$0x3F7E];
	s0 =	simm.s32 @p0 $0x1  }
0x13: {  	[smem:$0x3F99] =	sst s0;
	s0 =	simm.s32 @!p1 $0x0  }
0x14: {  	s2 =	sld [smem:$0x3F7D];
	s0 =	simm.s32 @p1 $0x1  }
0x15: {  	[smem:$0x3F9A] =	sst s0;
	s0 =	simm.s32 @!p2 $0x0  }
0x16: {  	s3 =	sld [smem:$0x3FDB];
	s0 =	simm.s32 @p2 $0x1  }
0x17: {  	s4 =	simm.s32 $0x1BF5;
	[smem:$0x3F9C] =	sst s0  }
0x18: {  	s0 =	sld [smem:$0x3F7F];
	_ =	swait.ge [sflag:s4], $0x0  }
0x19: {  	s7 =	sld [smem:$0x3F80]  }
0x1a: {  	s8 =	sadd.s32 $0xFFFFE003, lr  }
0x1b: {  	s9 =	sadd.s32 $0xFFFFFEF7, lr;
	s5 =	simm.s32 $0xFFFFFFFF;
	p2 =	slt.u32 s8, $0xFFFFF086  }
0x1c: {  	p1 =	slt.u32 s9, $0xF7A;
	s5 =	simm.s32 @!p2 $0x0  }
0x1d: {  	s5 =	simm.s32 @p1 $0x1;
	p0 =	seq.s32 s7, s2  }
0x1e: {  	s7 =	smul.u32 @!p0 $0xF7A, s2;
	p2 =	seq.s32 @!p0 s5, $0x0  }
0x1f: {  	s9 =	smul.u32 $0xF7A, s1;
	s8 =	simm.s32 @!p0 $0x1BF5;
	p2 =	por !p2, p0  }
0x20: {  	[sflag:s8] =	ssyncset.s32 @!p0 $0xFFFFF086;
	s6 =	sadd.s32 @!p0 s3, s7;
	s7 =	simm.s32 @!p0 $0x108  }
0x21: {  	s3 =	sadd.s32 s3, s9;
	s6 =	sadd.s32 @!p0 $0x88, s6;
	s7 =	simm.s32 @p2 $0x1082  }
0x22: {  	[simem:s7], [sflag:s8] =	dma.local @!p0 [hbm:s6], $0xF7A  }
0x23: {  	s9 =	sor.u32 $0xD0000000, s2;
	s6 =	simm.s32 $0x108;
	_ =	swait.ge @!p0 [sflag:s8], $0x0  }
0x24: {  	s3 =	sadd.s32 $0x88, s3;
	s6 =	simm.s32 @!p1 $0x1082;
	[sflag:s4] =	ssyncset.s32 $0xFFFFF086  }
0x25: {  	[simem:s6], [sflag:s4] =	dma.local [hbm:s3], $0xF7A  }
0x26: {  	[smem:$0x3F80] =	sst s1;
	(tag) =	ssettag s2;
	_ =	strace s9  }
0x27: {  	s1 =	sld [smem:$0x3F90]  }
0x28: {  	s2 =	sld [smem:$0x3F91]  }
0x29: {  	s4 =	sld [smem:$0x3F93]  }
0x2a: {  	p0 =	seq.s32 s5, $0x0;
	s5 =	sld [smem:$0x3F94]  }
0x2b: {  	s6 =	sld [smem:$0x3F95]  }
0x2c: {  	s7 =	sld [smem:$0x3F96]  }
0x2d: {  	s3 =	simm.s32 $0x108;
	s8 =	sld [smem:$0x3F97]  }
0x2e: {  	s3 =	simm.s32 @!p0 $0x1082;
	s9 =	sld [smem:$0x3F98]  }
0x2f: {  	lr =	sadd.s32 s0, s3;
	s0 =	sld [smem:$0x3F8F]  }
0x30: {  	s3 =	sld [smem:$0x3F92]  }
0x31: {  	[smem:$0x3F9B] =	sst s10  }
0x32: {  	s10 =	sld [smem:$0x3F99];
	_ =	sdelay $0x3  }
0x33: {  	p0 =	seq.s32 s10, $0x1;
	s10 =	sld [smem:$0x3F9B];
	_ =	sdelay $0x3  }
0x34: {  	[smem:$0x3F9B] =	sst s10  }
0x35: {  	s10 =	sld [smem:$0x3F9A];
	_ =	sdelay $0x3  }
0x36: {  	p1 =	seq.s32 s10, $0x1;
	s10 =	sld [smem:$0x3F9B];
	_ =	sdelay $0x3  }
0x37: {  	[smem:$0x3F9B] =	sst s10  }
0x38: {  	s10 =	sld [smem:$0x3F9C]  }
0x39: {  	_ = 	snop;
	(pc) =	sbr.ind lr, $3  }
0x3a: {  	_ = 	snop  }
0x3b: {  	_ = 	snop  }
0x3c: {  	p2 =	seq.s32 s10, $0x1;
	s10 =	sld [smem:$0x3F9B]  }
0x3d: {  	_ =	shalt  }
0x3e: {  	_ =	shalt  }
0x3f: {  	_ =	shalt  }
0x40: {  	_ =	shalt  }
0x41: {  	_ =	shalt  }
0x42: {  	_ =	shalt  }
0x43: {  	_ =	shalt  }
0x44: {  	_ =	shalt  }
0x45: {  	_ =	shalt  }
0x46: {  	_ =	shalt  }
0x47: {  	_ =	shalt  }
0x48: {  	_ =	shalt  }
0x49: {  	_ =	shalt  }
0x4a: {  	_ =	shalt  }
0x4b: {  	_ =	shalt  }
0x4c: {  	_ =	shalt  }
0x4d: {  	_ =	shalt  }
0x4e: {  	_ =	shalt  }
0x4f: {  	_ =	shalt  }
0x50: {  	_ =	shalt  }
0x51: {  	_ =	shalt  }
0x52: {  	_ =	shalt  }
0x53: {  	_ =	shalt  }
0x54: {  	_ =	shalt  }
0x55: {  	_ =	shalt  }
0x56: {  	_ =	shalt  }
0x57: {  	_ =	shalt  }
0x58: {  	_ =	shalt  }
0x59: {  	_ =	shalt  }
0x5a: {  	_ =	shalt  }
0x5b: {  	_ =	shalt  }
0x5c: {  	_ =	shalt  }
0x5d: {  	_ =	shalt  }
0x5e: {  	_ =	shalt  }
0x5f: {  	_ =	shalt  }
0x60: {  	_ =	shalt  }
0x61: {  	_ =	shalt  }
0x62: {  	_ =	shalt  }
0x63: {  	_ =	shalt  }
0x64: {  	_ =	shalt  }
0x65: {  	_ =	shalt  }
0x66: {  	_ =	shalt  }
0x67: {  	_ =	shalt  }
0x68: {  	_ =	shalt  }
0x69: {  	_ =	shalt  }
0x6a: {  	_ =	shalt  }
0x6b: {  	_ =	shalt  }
0x6c: {  	_ =	shalt  }
0x6d: {  	_ =	shalt  }
0x6e: {  	_ =	shalt  }
0x6f: {  	_ =	shalt  }
0x70: {  	_ =	shalt  }
0x71: {  	_ =	shalt  }
0x72: {  	_ =	shalt  }
0x73: {  	_ =	shalt  }
0x74: {  	_ =	shalt  }
0x75: {  	_ =	shalt  }
0x76: {  	_ =	shalt  }
0x77: {  	_ =	shalt  }
0x78: {  	_ =	shalt  }
0x79: {  	_ =	shalt  }
0x7a: {  	_ =	shalt  }
0x7b: {  	_ =	shalt  }
0x7c: {  	_ =	shalt  }
0x7d: {  	_ =	shalt  }
0x7e: {  	_ =	shalt  }
0x7f: {  	_ =	shalt  }
0x80: {  	_ =	shalt  }
0x81: {  	_ =	shalt  }
0x82: {  	_ =	shalt  }
0x83: {  	_ =	shalt  }
0x84: {  	_ =	shalt  }
0x85: {  	_ =	shalt  }
0x86: {  	_ =	shalt  }
0x87: {  	_ =	shalt  }
.Lfunc_end0:
.L_simem_size_0:
called_computation.1_lowered:
.L_overlay_start_0:
0x88: {  	s2 =	sld [smem:$0x3FD9]  }
0x89: {  	s3 =	sld [smem:$0x3FFE];
	_ =	sdelay $0x1  }
0x8a: {  	s1 =	srdreg.scid  }
0x8b: {  	s0 =	sand.u32 $0x1, s1  }
0x8c: {  	s16 =	sshll.u32 s0, $0xA;
	s2 =	sadd.s32 s3, s2  }
0x8d: {  	s2 =	sadd.s32 s2, s16  }
0x8e: {  	[smem:$0x3FA7] =	sst s2  }
0x8f: {  	_ = 	snop  }
0x90: {  	(tm) =	ssettm $0x1  }
0x91: {  	s17 =	sld [smem:$0x3FFB];
	_ =	sdelay $0x3  }
0x92: {  	_ =	strace s17  }
0x93: {  	s2 =	sld [smem:$0x3FFC];
	_ =	sdelay $0x3  }
0x94: {  	_ =	strace s2  }
0x95: {  	s2 =	sld [smem:$0x3FFD];
	_ =	sdelay $0x3  }
0x96: {  	_ =	strace s2  }
0x97: {  	_ =	strace $0x8FFFFFFF  }
0x98: {  	s18 =	sld [smem:$0x3FDB];
	_ =	sdelay $0x1  }
0x99: {  	s19 =	simm.s32 $_scs_section_size  }
0x9a: {  	s4 =	simm.s32 $_size__tile_overlayer_lowered;
	s5 =	simm.s32 $_tile_overlayer_lowered  }
0x9b: {  	s22 =	simm.s32 $0x1BFF;
	s21 =	sshll.u32 s5, $0x1;
	s2 =	sadd.s32 s19, s18  }
0x9c: {  	s6 =	simm.s32 $0x0;
	s20 =	sshll.u32 s4, $0x1;
	s4 =	sadd.s32 s21, s2  }
0x9d: {  	[timem:s6], [sflag:s22] =	dma.local [hbm:s4], s20  }
0x9e: {  	_ =	swait.ge [sflag:s22], s20  }
0x9f: {  	s3 =	ssub.s32 $0x0, s20;
	[sflag:s22] =	ssyncset.done $0x0  }
0xa0: {  	[sflag:s22] =	ssyncadd.s32 s3;
	_ =	sdelay $0x1  }
0xa1: {  	s23 =	simm.s32 $0x1B8B  }
0xa2: {  	_ =	swait.ge [sflag:s23], $0x1  }
0xa3: {  	[sflag:s23] =	ssyncset.done $0x0  }
0xa4: {  	s25 =	simm.s32 $0x1B8E;
	s24 =	sld [smem:$0x3FFE];
	[sflag:s23] =	ssyncadd.s32 $0xFFFFFFFF  }
0xa5: {  	s26 =	simm.s32 $execute0_lowered;
	[smem:$0x3FD2] =	sst s25  }
0xa6: {  	s4 =	sshll.u32 s26, $0x1;
	_ =	strace $0x80000049;
	[dreg:$0x1] =	wrdreg $0xFFFFFFFF  }
0xa7: {  	s28 =	simm.s32 $_size_execute0_lowered;
	s2 =	sadd.s32 s2, s4;
	[dreg:$0x0] =	wrdreg $0x0  }
0xa8: {  	s4 =	sshll.u32 s28, $0x1;
	[dreg:$0x2] =	wrdreg s2  }
0xa9: {  	[dreg:$0x3] =	wrdreg s4  }
0xaa: {  	[dreg:$0x4] =	wrdreg $0xC0  }
0xab: {  	_ =	task [dreg:s6], $0x5FFFF  }
0xac: {  	[dreg:$0x1] =	wrdreg $0xFFFFFFFF  }
0xad: {  	[dreg:$0x0] =	wrdreg $0x60  }
0xae: {  	[dreg:$0x2] =	wrdreg s24  }
0xaf: {  	[dreg:$0x3] =	wrdreg $0xA8000  }
0xb0: {  	[dreg:$0x4] =	wrdreg $0x9  }
0xb1: {  	_ =	task.clear_ibuf [dreg:s6], $0x5FFFF;
	_ =	strace $0x90000049  }
0xb2: {  	s29 =	simm.s32 $0x9;
	_ =	strace $0x8000004B  }
0xb3: {  	_ =	swait.ge [sflag:s29], $0x1  }
0xb4: {  	[sflag:s29] =	ssyncadd.s32 $0xFFFFFFFF  }
0xb5: {  	_ =	strace $0x9000004B  }
0xb6: {  	_ =	sfence  }
0xb7: {  	s30 =	sld [smem:$0x0];
	_ =	sdelay $0x2  }
0xb8: {  	s31 =	sshll.u32 s1, $0xD;
	s1 =	sshrl.u32 s1, $0x2  }
0xb9: {  	s3 =	sand.u32 $0x4000, s31;
	s1 =	sadd.s32 s1, s30  }
0xba: {  	s0 =	sor.u32 s3, s0;
	s1 =	sshll.u32 s1, $0x11  }
0xbb: {  	s0 =	sor.u32 s1, s0  }
0xbc: {  	s0 =	sadd.s32 $0x8F2B, s0  }
0xbd: {  	[sflag:s0] =	ssyncadd.remote.s32 $0x1  }
0xbe: {  	_ =	sfence.sel $0xFFFF  }
0xbf: {  	[dreg:$0x0] =	wrdreg $0xFFFFFFFF;
	(pc) =	sbr.abs _section_cstart, $3  }
0xc0: {  	[dreg:$0x1] =	wrdreg $0xFFFFFFFF  }
0xc1: {  	_ =	task.clear_ibuf [dreg:s6], $0x2FFFF;
	_ =	strace $0x9FFFFFFF  }
0xc2: {  	(tm) =	ssettm $0x7FFFFFFF  }
0xc3: {  	_ =	shalt  }
tec
execute0_lowered:
.L_overlay_start_1:
0x0: {  	(tag) =	ssettag $0x1  }
0x1: {  	s5 =	rddreg [dreg:$0x0]  }
0x2: {  	s2 =	rddreg [dreg:$0x1]  }
0x3: {  	s0 =	rddreg [dreg:$0x2]  }
0x4: {  	s1 =	stileid.u32;
	s4 =	srdreg.scid;
	s3 =	simm.s32 $0x0  }
0x5: {  	s15 =	simm.s32 $0x1400;
	s16 =	simm.s32 $0x80;
	s17 =	simm.s32 $0x2800  }
0x6: {  	s18 =	simm.s32 $0x6800;
	s19 =	simm.s32 $0x1;
	s20 =	simm.s32 $0x2  }
0x7: {  	s21 =	simm.s32 $0x0;
	s6 =	smul.u32 $0x14000, s1;
	s7 =	sand.u32 $0x1, s4  }
0x8: {  	[smem:$0x7FF] =	sst s3;
	s4 =	sadd.s32 $0x41200, s5;
	s11 =	sadd.s32 $0x5200, s5  }
0x9: {  	s12 =	sadd.s32 $0xF200, s5;
	s10 =	smul.u32 $0x50000, s1;
	s30 =	sshll.u32 s1, $0x6  }
0xa: {  	s8 =	smul.u32 $0x140000, s7;
	_ =	strace $0x8000004A;
	s24 =	ssub.s32 $0x2, s7  }
0xb: {  	s7 =	sshll.u32 s7, $0x4;
	s9 =	sshrl.u32 s6, $0x3;
	s25 =	sshrl.u32 s24, $0x1  }
0xc: {  	s26 =	sor.u32 s1, s7;
	s28 =	sshrl.u32 s10, $0x2;
	s6 =	sadd.s32 s6, s8  }
0xd: {  	s23 =	sadd.s32 s9, s5;
	s9 =	ssub.s32 s24, s25;
	s29 =	smul.u32 $0x2800, s26  }
0xe: {  	s14 =	sadd.s32 s28, s2;
	s6 =	sshrl.u32 s6, $0x3;
	s8 =	smax.u32 s9, $0x1  }
0xf: {  	s13 =	sadd.s32 s6, s5;
	s5 =	sadd.s32 $0x19200, s23;
	s10 =	sshrl.u32 s29, $0x3  }
0x10: {  	s6 =	sor.u32 $0x1C03, s30;
	s7 =	sadd.s32 $0x68400, s13;
	s9 =	sadd.s32 s11, s10  }
0x11: {  	s31 =	sadd.s32 $0x280, s10;
	s10 =	sadd.s32 s12, s10;
	s13 =	sshrl.u32 s14, $0x3  }
0x12: {  	s14 =	simm.s32 $0x3;
	s11 =	sadd.s32 s11, s31;
	s12 =	sadd.s32 s12, s31  }
.LBB2_1:
0x13: {  	[spmem:s13], [sflag:s6] =	dma.local [hbm:s5], $0x2800  }
0x14: {  	_ =	swait.ge [sflag:s14], $0x2800  }
0x15: {  	[sflag:s14] =	ssyncset.done $0x0  }
0x16: {  	[sflag:s14] =	ssyncadd.s32 $0xFFFFD800  }
0x17: {  	[bflag:$0x0] =	sbarrier.arrive $0xFFFF  }
0x18: {  	[tilespmem:s3], [sflag:$0x3] =	stream.linear.gather [hbm4b:s9+s3], $0x1400, $0x38;
	[tilespmem:$0x1E800] =	vst v63  }
0x19: {  	_ =	swait.ge [sflag:s14], $0x1400  }
0x1a: {  	[sflag:s14] =	ssyncset.done $0x0  }
0x1b: {  	[sflag:s14] =	ssyncadd.s32 $0xFFFFEC00  }
0x1c: {  	[tilespmem:s15], [sflag:$0x3] =	stream.linear.gather [hbm4b:s10+s3], $0x1400, $0x38;
	[tilespmem:$0x1E800] =	vst v63  }
0x1d: {  	_ =	swait.ge [sflag:s14], $0x1400  }
0x1e: {  	[sflag:s14] =	ssyncset.done $0x0  }
0x1f: {  	s22 =	simm.s32 $0x0;
	[sflag:s14] =	ssyncadd.s32 $0xFFFFEC00  }
0x20: {  	[tilespmem:s17], [sflag:$0x1] =	stream.indirect.gather [hbm4b:s4+s16], $0x80, s22, s16, $0xb8;
	[tilespmem:$0x1E800] =	vst v63  }
0x21: {  	s29 =	simm.s32 $0x80  }
0x22: {  	[tilespmem:s18], [sflag:$0x2] =	stream.indirect.gather [hbm4b:s4+s16], $0x80, s29, s16, $0xb8;
	[tilespmem:$0x1E800] =	vst v63  }
0x23: {  	_ =	swait.ge [sflag:s19], $0x4000  }
0x24: {  	[sflag:s19] =	ssyncset.done $0x0  }
0x25: {  	s30 =	simm.s32 $0x1400;
	[sflag:s19] =	ssyncadd.s32 $0xFFFFC000  }
0x26: {  	[spmem:s2] =	stream.indirect.scatter.add.f32 [tilespmem:s17], [sflag:$0x3], $0x80, s30, s16, $0xb8;
	[tilespmem:$0x1E800] =	vst v63  }
0x27: {  	_ =	swait.ge [sflag:s14], $0x4000  }
0x28: {  	[sflag:s14] =	ssyncset.done $0x0  }
0x29: {  	[sflag:s14] =	ssyncadd.s32 $0xFFFFC000  }
0x2a: {  	_ =	swait.ge [sflag:s20], $0x4000  }
0x2b: {  	[sflag:s20] =	ssyncset.done $0x0  }
0x2c: {  	s31 =	simm.s32 $0x1480;
	[sflag:s20] =	ssyncadd.s32 $0xFFFFC000  }
0x2d: {  	[spmem:s2] =	stream.indirect.scatter.add.f32 [tilespmem:s18], [sflag:$0x3], $0x80, s31, s16, $0xb8;
	[tilespmem:$0x1E800] =	vst v63  }
0x2e: {  	_ =	swait.ge [sflag:s14], $0x4000  }
0x2f: {  	s23 =	simm.s32 $0x800;
	s22 =	simm.s32 $0x400;
	[sflag:s14] =	ssyncset.done $0x0  }
.LBB2_2:
0x30: {  	s24 =	sshra.s32 s22, $0x2  }
0x31: {  	[sflag:s14] =	ssyncadd.s32 $0xFFFFC000;
	s22 =	smov.u32 s23;
	s25 =	sadd.s32 $0x400, s23  }
0x32: {  	[tilespmem:s17], [sflag:$0x1] =	stream.indirect.gather [hbm4b:s4+s16], $0x80, s24, s16, $0xb8;
	[tilespmem:$0x1E800] =	vst v63  }
0x33: {  	p0 =	sne.s32 s23, $0x4C00;
	s23 =	sadd.s32 $0x80, s24  }
0x34: {  	[tilespmem:s18], [sflag:$0x2] =	stream.indirect.gather [hbm4b:s4+s16], $0x80, s23, s16, $0xb8;
	[tilespmem:$0x1E800] =	vst v63  }
0x35: {  	_ =	swait.ge [sflag:s19], $0x4000  }
0x36: {  	[sflag:s19] =	ssyncset.done $0x0  }
0x37: {  	s23 =	sadd.s32 $0x1400, s24;
	[sflag:s19] =	ssyncadd.s32 $0xFFFFC000  }
0x38: {  	[spmem:s2] =	stream.indirect.scatter.add.f32 [tilespmem:s17], [sflag:$0x3], $0x80, s23, s16, $0xb8;
	[tilespmem:$0x1E800] =	vst v63  }
0x39: {  	_ =	swait.ge [sflag:s14], $0x4000  }
0x3a: {  	[sflag:s14] =	ssyncset.done $0x0  }
0x3b: {  	[sflag:s14] =	ssyncadd.s32 $0xFFFFC000  }
0x3c: {  	_ =	swait.ge [sflag:s20], $0x4000  }
.Ltmp0:
0x3d: {  	[sflag:s20] =	ssyncset.done $0x0;
	(pc) =	sbr.rel @p0 .LBB2_2-.Ltmp0, $4  }
0x3e: {  	s23 =	sadd.s32 $0x1480, s24;
	[sflag:s20] =	ssyncadd.s32 $0xFFFFC000  }
0x3f: {  	[spmem:s2] =	stream.indirect.scatter.add.f32 [tilespmem:s18], [sflag:$0x3], $0x80, s23, s16, $0xb8;
	[tilespmem:$0x1E800] =	vst v63  }
0x40: {  	_ =	swait.ge [sflag:s14], $0x4000  }
0x41: {  	s23 =	smov.u32 s25;
	[sflag:s14] =	ssyncset.done $0x0  }
0x42: {  	s22 =	sshra.s32 s22, $0x2;
	[sflag:s14] =	ssyncadd.s32 $0xFFFFC000  }
0x43: {  	[tilespmem:s17], [sflag:$0x1] =	stream.indirect.gather [hbm4b:s4+s16], $0x80, s22, s16, $0xb8;
	[tilespmem:$0x1E800] =	vst v63  }
0x44: {  	s23 =	sadd.s32 $0x80, s22  }
0x45: {  	[tilespmem:s18], [sflag:$0x2] =	stream.indirect.gather [hbm4b:s4+s16], $0x80, s23, s16, $0xb8;
	[tilespmem:$0x1E800] =	vst v63  }
0x46: {  	_ =	swait.ge [sflag:s19], $0x4000  }
0x47: {  	[sflag:s19] =	ssyncset.done $0x0  }
0x48: {  	s25 =	sadd.s32 $0x1400, s22;
	[sflag:s19] =	ssyncadd.s32 $0xFFFFC000  }
0x49: {  	[spmem:s2] =	stream.indirect.scatter.add.f32 [tilespmem:s17], [sflag:$0x3], $0x80, s25, s16, $0xb8;
	[tilespmem:$0x1E800] =	vst v63  }
0x4a: {  	_ =	swait.ge [sflag:s14], $0x4000  }
0x4b: {  	[sflag:s14] =	ssyncset.done $0x0  }
0x4c: {  	[sflag:s14] =	ssyncadd.s32 $0xFFFFC000  }
0x4d: {  	_ =	swait.ge [sflag:s20], $0x4000  }
0x4e: {  	[sflag:s20] =	ssyncset.done $0x0  }
0x4f: {  	s22 =	sadd.s32 $0x1480, s22;
	[sflag:s20] =	ssyncadd.s32 $0xFFFFC000  }
0x50: {  	[spmem:s2] =	stream.indirect.scatter.add.f32 [tilespmem:s18], [sflag:$0x3], $0x80, s22, s16, $0xb8;
	[tilespmem:$0x1E800] =	vst v63  }
0x51: {  	_ =	swait.ge [sflag:s14], $0x4000  }
0x52: {  	[sflag:s14] =	ssyncset.done $0x0  }
0x53: {  	s26 =	simm.s32 $0x0;
	[sflag:s14] =	ssyncadd.s32 $0xFFFFC000  }
0x54: {  	[tilespmem:s26], [sflag:$0x3] =	stream.linear.gather [hbm4b:s11+s26], $0x1400, $0x38;
	[tilespmem:$0x1E800] =	vst v63  }
0x55: {  	_ =	swait.ge [sflag:s14], $0x1400  }
0x56: {  	[sflag:s14] =	ssyncset.done $0x0  }
0x57: {  	[sflag:s14] =	ssyncadd.s32 $0xFFFFEC00  }
0x58: {  	[tilespmem:s15], [sflag:$0x3] =	stream.linear.gather [hbm4b:s12+s26], $0x1400, $0x38;
	[tilespmem:$0x1E800] =	vst v63  }
0x59: {  	_ =	swait.ge [sflag:s14], $0x1400  }
0x5a: {  	[sflag:s14] =	ssyncset.done $0x0  }
0x5b: {  	s28 =	simm.s32 $0x0;
	[sflag:s14] =	ssyncadd.s32 $0xFFFFEC00  }
0x5c: {  	[tilespmem:s17], [sflag:$0x1] =	stream.indirect.gather [hbm4b:s4+s16], $0x80, s28, s16, $0xb8;
	[tilespmem:$0x1E800] =	vst v63  }
0x5d: {  	s29 =	simm.s32 $0x80  }
0x5e: {  	[tilespmem:s18], [sflag:$0x2] =	stream.indirect.gather [hbm4b:s4+s16], $0x80, s29, s16, $0xb8;
	[tilespmem:$0x1E800] =	vst v63  }
0x5f: {  	_ =	swait.ge [sflag:s19], $0x4000  }
0x60: {  	[sflag:s19] =	ssyncset.done $0x0  }
0x61: {  	s30 =	simm.s32 $0x1400;
	[sflag:s19] =	ssyncadd.s32 $0xFFFFC000  }
0x62: {  	[spmem:s2] =	stream.indirect.scatter.add.f32 [tilespmem:s17], [sflag:$0x3], $0x80, s30, s16, $0xb8;
	[tilespmem:$0x1E800] =	vst v63  }
0x63: {  	_ =	swait.ge [sflag:s14], $0x4000  }
0x64: {  	[sflag:s14] =	ssyncset.done $0x0  }
0x65: {  	[sflag:s14] =	ssyncadd.s32 $0xFFFFC000  }
0x66: {  	_ =	swait.ge [sflag:s20], $0x4000  }
0x67: {  	[sflag:s20] =	ssyncset.done $0x0  }
0x68: {  	s31 =	simm.s32 $0x1480;
	[sflag:s20] =	ssyncadd.s32 $0xFFFFC000  }
0x69: {  	[spmem:s2] =	stream.indirect.scatter.add.f32 [tilespmem:s18], [sflag:$0x3], $0x80, s31, s16, $0xb8;
	[tilespmem:$0x1E800] =	vst v63  }
0x6a: {  	_ =	swait.ge [sflag:s14], $0x4000  }
0x6b: {  	s23 =	simm.s32 $0x800;
	s22 =	simm.s32 $0x400;
	[sflag:s14] =	ssyncset.done $0x0  }
.LBB2_4:
0x6c: {  	s24 =	sshra.s32 s22, $0x2  }
0x6d: {  	[sflag:s14] =	ssyncadd.s32 $0xFFFFC000;
	s22 =	smov.u32 s23;
	s25 =	sadd.s32 $0x400, s23  }
0x6e: {  	[tilespmem:s17], [sflag:$0x1] =	stream.indirect.gather [hbm4b:s4+s16], $0x80, s24, s16, $0xb8;
	[tilespmem:$0x1E800] =	vst v63  }
0x6f: {  	p0 =	sne.s32 s23, $0x4C00;
	s23 =	sadd.s32 $0x80, s24  }
0x70: {  	[tilespmem:s18], [sflag:$0x2] =	stream.indirect.gather [hbm4b:s4+s16], $0x80, s23, s16, $0xb8;
	[tilespmem:$0x1E800] =	vst v63  }
0x71: {  	_ =	swait.ge [sflag:s19], $0x4000  }
0x72: {  	[sflag:s19] =	ssyncset.done $0x0  }
0x73: {  	s23 =	sadd.s32 $0x1400, s24;
	[sflag:s19] =	ssyncadd.s32 $0xFFFFC000  }
0x74: {  	[spmem:s2] =	stream.indirect.scatter.add.f32 [tilespmem:s17], [sflag:$0x3], $0x80, s23, s16, $0xb8;
	[tilespmem:$0x1E800] =	vst v63  }
0x75: {  	_ =	swait.ge [sflag:s14], $0x4000  }
0x76: {  	[sflag:s14] =	ssyncset.done $0x0  }
0x77: {  	[sflag:s14] =	ssyncadd.s32 $0xFFFFC000  }
0x78: {  	_ =	swait.ge [sflag:s20], $0x4000  }
.Ltmp1:
0x79: {  	[sflag:s20] =	ssyncset.done $0x0;
	(pc) =	sbr.rel @p0 .LBB2_4-.Ltmp1, $4  }
0x7a: {  	s23 =	sadd.s32 $0x1480, s24;
	[sflag:s20] =	ssyncadd.s32 $0xFFFFC000  }
0x7b: {  	[spmem:s2] =	stream.indirect.scatter.add.f32 [tilespmem:s18], [sflag:$0x3], $0x80, s23, s16, $0xb8;
	[tilespmem:$0x1E800] =	vst v63  }
0x7c: {  	_ =	swait.ge [sflag:s14], $0x4000  }
0x7d: {  	s23 =	smov.u32 s25;
	[sflag:s14] =	ssyncset.done $0x0  }
0x7e: {  	s22 =	sshra.s32 s22, $0x2;
	[sflag:s14] =	ssyncadd.s32 $0xFFFFC000  }
0x7f: {  	[tilespmem:s17], [sflag:$0x1] =	stream.indirect.gather [hbm4b:s4+s16], $0x80, s22, s16, $0xb8;
	[tilespmem:$0x1E800] =	vst v63  }
0x80: {  	s23 =	sadd.s32 $0x80, s22  }
0x81: {  	[tilespmem:s18], [sflag:$0x2] =	stream.indirect.gather [hbm4b:s4+s16], $0x80, s23, s16, $0xb8;
	[tilespmem:$0x1E800] =	vst v63  }
0x82: {  	_ =	swait.ge [sflag:s19], $0x4000  }
0x83: {  	[sflag:s19] =	ssyncset.done $0x0  }
0x84: {  	s31 =	sadd.s32 $0x1400, s22;
	[sflag:s19] =	ssyncadd.s32 $0xFFFFC000  }
0x85: {  	[spmem:s2] =	stream.indirect.scatter.add.f32 [tilespmem:s17], [sflag:$0x3], $0x80, s31, s16, $0xb8;
	[tilespmem:$0x1E800] =	vst v63  }
0x86: {  	_ =	swait.ge [sflag:s14], $0x4000  }
0x87: {  	[sflag:s14] =	ssyncset.done $0x0  }
0x88: {  	[sflag:s14] =	ssyncadd.s32 $0xFFFFC000  }
0x89: {  	_ =	swait.ge [sflag:s20], $0x4000  }
0x8a: {  	[sflag:s20] =	ssyncset.done $0x0  }
0x8b: {  	s22 =	sadd.s32 $0x1480, s22;
	[sflag:s20] =	ssyncadd.s32 $0xFFFFC000  }
0x8c: {  	[spmem:s2] =	stream.indirect.scatter.add.f32 [tilespmem:s18], [sflag:$0x3], $0x80, s22, s16, $0xb8;
	[tilespmem:$0x1E800] =	vst v63  }
0x8d: {  	_ =	swait.ge [sflag:s14], $0x4000  }
0x8e: {  	s21 =	sadd.s32 $0x1, s21;
	[sflag:s14] =	ssyncset.done $0x0  }
0x8f: {  	p0 =	sne.s32 s21, s8;
	[sflag:s14] =	ssyncadd.s32 $0xFFFFC000  }
.Ltmp2:
0x90: {  	[bflag:$0x0] =	sbarrier.arrive $0xFFFF;
	(pc) =	sbr.rel @p0 .LBB2_1-.Ltmp2, $4  }
0x91: {  	[hbm:s7], [sflag:s6] =	dma.local [spmem:s13], $0x2800  }
0x92: {  	_ =	swait.ge [sflag:s14], $0x2800  }
0x93: {  	[sflag:s14] =	ssyncset.done $0x0  }
0x94: {  	[sflag:s14] =	ssyncadd.s32 $0xFFFFD800  }
0x95: {  	_ =	sfence.sel $0x180000  }
0x96: {  	[bflag:$0x0] =	sbarrier.arrive $0xFFFF  }
0x97: {  	p0 =	sne.s32 s1, $0x0;
	_ =	strace $0x9000004A  }
0x98: {  	s0 =	sadd.s32 @!p0 $0x100000, s0;
	[bflag:$0x2] =	sbarrier.arrive $0xFFFF  }
0x99: {  	[sflag:s0] =	ssyncadd.tile.s32 @!p0 $0x1;
	_ =	shalt  }
.Lfunc_end2:
_tile_overlayer_lowered:
.L_overlay_start_2:
0x9a: {  	(tag) =	ssettag $0x2  }
0x9b: {  	s0 =	rddreg [dreg:$0x0];
	s2 =	stileid.u32  }
0x9c: {  	s1 =	rddreg [dreg:$0x1];
	p0 =	sne.s32 s2, $0x0  }
0x9d: {  	s3 =	rddreg [dreg:$0x2];
	[bflag:$0x3] =	sbarrier.arrive $0xFFFF;
	s2 =	simm.s32 @!p0 $0x1C03  }
0x9e: {  	[timem:s3], [sflag:s2] =	dma.local @!p0 [hbm:s0], s1  }
0x9f: {  	s0 =	simm.s32 @!p0 $0x3  }
0xa0: {  	_ =	swait.ge @!p0 [sflag:s0], s1  }
0xa1: {  	s1 =	ssub.s32 @!p0 $0x0, s1;
	[sflag:s0] =	ssyncset.done @!p0 $0x0  }
0xa2: {  	[sflag:s0] =	ssyncadd.s32 @!p0 s1  }
0xa3: {  	[bflag:$0x3] =	sbarrier.arrive $0xFFFF  }
0xa4: {  	_ =	shalt  }

// kernel: kernel.14.cloned.1.call-start
scs
__scs_entry_jumppad:
0x0: {  	(pc) =	sbr.rel $0x88, $3  }
0x1: {  	(tag) =	ssettag $0x0;
	lr =	simm.s32 $0x1  }
0x2: {  	[smem:$0x3F80] =	sst lr;
	_ =	strace $0xD0000000  }
0x3: {  	_ = 	snop  }
0x4: {  	_ = 	snop  }
0x5: {  	_ = 	snop  }
0x6: {  	_ = 	snop  }
0x7: {  	_ = 	snop  }
__scs_overlays_trampoline_lowered:
0x8: {  	[smem:$0x3F8F] =	sst s0  }
0x9: {  	[smem:$0x3F90] =	sst s1  }
0xa: {  	[smem:$0x3F91] =	sst s2  }
0xb: {  	[smem:$0x3F92] =	sst s3  }
0xc: {  	[smem:$0x3F93] =	sst s4  }
0xd: {  	[smem:$0x3F94] =	sst s5  }
0xe: {  	[smem:$0x3F95] =	sst s6  }
0xf: {  	[smem:$0x3F96] =	sst s7  }
0x10: {  	[smem:$0x3F97] =	sst s8  }
0x11: {  	[smem:$0x3F98] =	sst s9;
	s0 =	simm.s32 @!p0 $0x0  }
0x12: {  	s1 =	sld [smem:$0x3F7E];
	s0 =	simm.s32 @p0 $0x1  }
0x13: {  	[smem:$0x3F99] =	sst s0;
	s0 =	simm.s32 @!p1 $0x0  }
0x14: {  	s2 =	sld [smem:$0x3F7D];
	s0 =	simm.s32 @p1 $0x1  }
0x15: {  	[smem:$0x3F9A] =	sst s0;
	s0 =	simm.s32 @!p2 $0x0  }
0x16: {  	s3 =	sld [smem:$0x3FDB];
	s0 =	simm.s32 @p2 $0x1  }
0x17: {  	s4 =	simm.s32 $0x1BF5;
	[smem:$0x3F9C] =	sst s0  }
0x18: {  	s0 =	sld [smem:$0x3F7F];
	_ =	swait.ge [sflag:s4], $0x0  }
0x19: {  	s7 =	sld [smem:$0x3F80]  }
0x1a: {  	s8 =	sadd.s32 $0xFFFFE003, lr  }
0x1b: {  	s9 =	sadd.s32 $0xFFFFFEF7, lr;
	s5 =	simm.s32 $0xFFFFFFFF;
	p2 =	slt.u32 s8, $0xFFFFF086  }
0x1c: {  	p1 =	slt.u32 s9, $0xF7A;
	s5 =	simm.s32 @!p2 $0x0  }
0x1d: {  	s5 =	simm.s32 @p1 $0x1;
	p0 =	seq.s32 s7, s2  }
0x1e: {  	s7 =	smul.u32 @!p0 $0xF7A, s2;
	p2 =	seq.s32 @!p0 s5, $0x0  }
0x1f: {  	s9 =	smul.u32 $0xF7A, s1;
	s8 =	simm.s32 @!p0 $0x1BF5;
	p2 =	por !p2, p0  }
0x20: {  	[sflag:s8] =	ssyncset.s32 @!p0 $0xFFFFF086;
	s6 =	sadd.s32 @!p0 s3, s7;
	s7 =	simm.s32 @!p0 $0x108  }
0x21: {  	s3 =	sadd.s32 s3, s9;
	s6 =	sadd.s32 @!p0 $0x88, s6;
	s7 =	simm.s32 @p2 $0x1082  }
0x22: {  	[simem:s7], [sflag:s8] =	dma.local @!p0 [hbm:s6], $0xF7A  }
0x23: {  	s9 =	sor.u32 $0xD0000000, s2;
	s6 =	simm.s32 $0x108;
	_ =	swait.ge @!p0 [sflag:s8], $0x0  }
0x24: {  	s3 =	sadd.s32 $0x88, s3;
	s6 =	simm.s32 @!p1 $0x1082;
	[sflag:s4] =	ssyncset.s32 $0xFFFFF086  }
0x25: {  	[simem:s6], [sflag:s4] =	dma.local [hbm:s3], $0xF7A  }
0x26: {  	[smem:$0x3F80] =	sst s1;
	(tag) =	ssettag s2;
	_ =	strace s9  }
0x27: {  	s1 =	sld [smem:$0x3F90]  }
0x28: {  	s2 =	sld [smem:$0x3F91]  }
0x29: {  	s4 =	sld [smem:$0x3F93]  }
0x2a: {  	p0 =	seq.s32 s5, $0x0;
	s5 =	sld [smem:$0x3F94]  }
0x2b: {  	s6 =	sld [smem:$0x3F95]  }
0x2c: {  	s7 =	sld [smem:$0x3F96]  }
0x2d: {  	s3 =	simm.s32 $0x108;
	s8 =	sld [smem:$0x3F97]  }
0x2e: {  	s3 =	simm.s32 @!p0 $0x1082;
	s9 =	sld [smem:$0x3F98]  }
0x2f: {  	lr =	sadd.s32 s0, s3;
	s0 =	sld [smem:$0x3F8F]  }
0x30: {  	s3 =	sld [smem:$0x3F92]  }
0x31: {  	[smem:$0x3F9B] =	sst s10  }
0x32: {  	s10 =	sld [smem:$0x3F99];
	_ =	sdelay $0x3  }
0x33: {  	p0 =	seq.s32 s10, $0x1;
	s10 =	sld [smem:$0x3F9B];
	_ =	sdelay $0x3  }
0x34: {  	[smem:$0x3F9B] =	sst s10  }
0x35: {  	s10 =	sld [smem:$0x3F9A];
	_ =	sdelay $0x3  }
0x36: {  	p1 =	seq.s32 s10, $0x1;
	s10 =	sld [smem:$0x3F9B];
	_ =	sdelay $0x3  }
0x37: {  	[smem:$0x3F9B] =	sst s10  }
0x38: {  	s10 =	sld [smem:$0x3F9C]  }
0x39: {  	_ = 	snop;
	(pc) =	sbr.ind lr, $3  }
0x3a: {  	_ = 	snop  }
0x3b: {  	_ = 	snop  }
0x3c: {  	p2 =	seq.s32 s10, $0x1;
	s10 =	sld [smem:$0x3F9B]  }
0x3d: {  	_ =	shalt  }
0x3e: {  	_ =	shalt  }
0x3f: {  	_ =	shalt  }
0x40: {  	_ =	shalt  }
0x41: {  	_ =	shalt  }
0x42: {  	_ =	shalt  }
0x43: {  	_ =	shalt  }
0x44: {  	_ =	shalt  }
0x45: {  	_ =	shalt  }
0x46: {  	_ =	shalt  }
0x47: {  	_ =	shalt  }
0x48: {  	_ =	shalt  }
0x49: {  	_ =	shalt  }
0x4a: {  	_ =	shalt  }
0x4b: {  	_ =	shalt  }
0x4c: {  	_ =	shalt  }
0x4d: {  	_ =	shalt  }
0x4e: {  	_ =	shalt  }
0x4f: {  	_ =	shalt  }
0x50: {  	_ =	shalt  }
0x51: {  	_ =	shalt  }
0x52: {  	_ =	shalt  }
0x53: {  	_ =	shalt  }
0x54: {  	_ =	shalt  }
0x55: {  	_ =	shalt  }
0x56: {  	_ =	shalt  }
0x57: {  	_ =	shalt  }
0x58: {  	_ =	shalt  }
0x59: {  	_ =	shalt  }
0x5a: {  	_ =	shalt  }
0x5b: {  	_ =	shalt  }
0x5c: {  	_ =	shalt  }
0x5d: {  	_ =	shalt  }
0x5e: {  	_ =	shalt  }
0x5f: {  	_ =	shalt  }
0x60: {  	_ =	shalt  }
0x61: {  	_ =	shalt  }
0x62: {  	_ =	shalt  }
0x63: {  	_ =	shalt  }
0x64: {  	_ =	shalt  }
0x65: {  	_ =	shalt  }
0x66: {  	_ =	shalt  }
0x67: {  	_ =	shalt  }
0x68: {  	_ =	shalt  }
0x69: {  	_ =	shalt  }
0x6a: {  	_ =	shalt  }
0x6b: {  	_ =	shalt  }
0x6c: {  	_ =	shalt  }
0x6d: {  	_ =	shalt  }
0x6e: {  	_ =	shalt  }
0x6f: {  	_ =	shalt  }
0x70: {  	_ =	shalt  }
0x71: {  	_ =	shalt  }
0x72: {  	_ =	shalt  }
0x73: {  	_ =	shalt  }
0x74: {  	_ =	shalt  }
0x75: {  	_ =	shalt  }
0x76: {  	_ =	shalt  }
0x77: {  	_ =	shalt  }
0x78: {  	_ =	shalt  }
0x79: {  	_ =	shalt  }
0x7a: {  	_ =	shalt  }
0x7b: {  	_ =	shalt  }
0x7c: {  	_ =	shalt  }
0x7d: {  	_ =	shalt  }
0x7e: {  	_ =	shalt  }
0x7f: {  	_ =	shalt  }
0x80: {  	_ =	shalt  }
0x81: {  	_ =	shalt  }
0x82: {  	_ =	shalt  }
0x83: {  	_ =	shalt  }
0x84: {  	_ =	shalt  }
0x85: {  	_ =	shalt  }
0x86: {  	_ =	shalt  }
0x87: {  	_ =	shalt  }
.Lfunc_end0:
.L_simem_size_0:
called_computation.2_lowered:
.L_overlay_start_0:
0x88: {  	s2 =	sld [smem:$0x3FD9]  }
0x89: {  	s3 =	sld [smem:$0x3FFE];
	_ =	sdelay $0x1  }
0x8a: {  	s1 =	srdreg.scid  }
0x8b: {  	s0 =	sand.u32 $0x1, s1  }
0x8c: {  	s16 =	sshll.u32 s0, $0xA;
	s2 =	sadd.s32 s3, s2  }
0x8d: {  	s2 =	sadd.s32 s2, s16  }
0x8e: {  	[smem:$0x3FA7] =	sst s2  }
0x8f: {  	_ = 	snop  }
0x90: {  	(tm) =	ssettm $0x1  }
0x91: {  	s17 =	sld [smem:$0x3FFB];
	_ =	sdelay $0x3  }
0x92: {  	_ =	strace s17  }
0x93: {  	s2 =	sld [smem:$0x3FFC];
	_ =	sdelay $0x3  }
0x94: {  	_ =	strace s2  }
0x95: {  	s2 =	sld [smem:$0x3FFD];
	_ =	sdelay $0x3  }
0x96: {  	_ =	strace s2  }
0x97: {  	_ =	strace $0x8FFFFFFF  }
0x98: {  	s18 =	sld [smem:$0x3FDB];
	_ =	sdelay $0x1  }
0x99: {  	s19 =	simm.s32 $_scs_section_size  }
0x9a: {  	s4 =	simm.s32 $_size__tile_overlayer_lowered;
	s5 =	simm.s32 $_tile_overlayer_lowered  }
0x9b: {  	s22 =	simm.s32 $0x1BFF;
	s21 =	sshll.u32 s5, $0x1;
	s2 =	sadd.s32 s19, s18  }
0x9c: {  	s6 =	simm.s32 $0x0;
	s20 =	sshll.u32 s4, $0x1;
	s4 =	sadd.s32 s21, s2  }
0x9d: {  	[timem:s6], [sflag:s22] =	dma.local [hbm:s4], s20  }
0x9e: {  	_ =	swait.ge [sflag:s22], s20  }
0x9f: {  	s3 =	ssub.s32 $0x0, s20;
	[sflag:s22] =	ssyncset.done $0x0  }
0xa0: {  	[sflag:s22] =	ssyncadd.s32 s3;
	_ =	sdelay $0x1  }
0xa1: {  	s23 =	simm.s32 $0x1B8B  }
0xa2: {  	_ =	swait.ge [sflag:s23], $0x1  }
0xa3: {  	[sflag:s23] =	ssyncset.done $0x0  }
0xa4: {  	s25 =	simm.s32 $0x1B8E;
	s24 =	sld [smem:$0x3FFE];
	[sflag:s23] =	ssyncadd.s32 $0xFFFFFFFF  }
0xa5: {  	s26 =	simm.s32 $execute0_lowered;
	[smem:$0x3FD2] =	sst s25  }
0xa6: {  	s4 =	sshll.u32 s26, $0x1;
	_ =	strace $0x8000004C;
	[dreg:$0x1] =	wrdreg $0xFFFFFFFF  }
0xa7: {  	s28 =	simm.s32 $_size_execute0_lowered;
	s2 =	sadd.s32 s2, s4;
	[dreg:$0x0] =	wrdreg $0x0  }
0xa8: {  	s4 =	sshll.u32 s28, $0x1;
	[dreg:$0x2] =	wrdreg s2  }
0xa9: {  	[dreg:$0x3] =	wrdreg s4  }
0xaa: {  	[dreg:$0x4] =	wrdreg $0xC0  }
0xab: {  	_ =	task [dreg:s6], $0x5FFFF  }
0xac: {  	[dreg:$0x1] =	wrdreg $0xFFFFFFFF  }
0xad: {  	[dreg:$0x0] =	wrdreg $0x60  }
0xae: {  	[dreg:$0x2] =	wrdreg s24  }
0xaf: {  	[dreg:$0x3] =	wrdreg $0xA8000  }
0xb0: {  	[dreg:$0x4] =	wrdreg $0x9  }
0xb1: {  	_ =	task.clear_ibuf [dreg:s6], $0x5FFFF;
	_ =	strace $0x9000004C  }
0xb2: {  	s29 =	simm.s32 $0x9;
	_ =	strace $0x8000004E  }
0xb3: {  	_ =	swait.ge [sflag:s29], $0x1  }
0xb4: {  	[sflag:s29] =	ssyncadd.s32 $0xFFFFFFFF  }
0xb5: {  	_ =	strace $0x9000004E  }
0xb6: {  	_ =	sfence  }
0xb7: {  	s30 =	sld [smem:$0x0];
	_ =	sdelay $0x2  }
0xb8: {  	s31 =	sshll.u32 s1, $0xD;
	s1 =	sshrl.u32 s1, $0x2  }
0xb9: {  	s3 =	sand.u32 $0x4000, s31;
	s1 =	sadd.s32 s1, s30  }
0xba: {  	s0 =	sor.u32 s3, s0;
	s1 =	sshll.u32 s1, $0x11  }
0xbb: {  	s0 =	sor.u32 s1, s0  }
0xbc: {  	s0 =	sadd.s32 $0x8F2B, s0  }
0xbd: {  	[sflag:s0] =	ssyncadd.remote.s32 $0x1  }
0xbe: {  	_ =	sfence.sel $0xFFFF  }
0xbf: {  	[dreg:$0x0] =	wrdreg $0xFFFFFFFF;
	(pc) =	sbr.abs _section_cstart, $3  }
0xc0: {  	[dreg:$0x1] =	wrdreg $0xFFFFFFFF  }
0xc1: {  	_ =	task.clear_ibuf [dreg:s6], $0x2FFFF;
	_ =	strace $0x9FFFFFFF  }
0xc2: {  	(tm) =	ssettm $0x7FFFFFFF  }
0xc3: {  	_ =	shalt  }
tec
execute0_lowered:
.L_overlay_start_1:
0x0: {  	(tag) =	ssettag $0x1  }
0x1: {  	s5 =	rddreg [dreg:$0x0]  }
0x2: {  	s2 =	rddreg [dreg:$0x1]  }
0x3: {  	s0 =	rddreg [dreg:$0x2]  }
0x4: {  	s1 =	stileid.u32;
	s4 =	srdreg.scid;
	s3 =	simm.s32 $0x0  }
0x5: {  	s15 =	simm.s32 $0x1400;
	s16 =	simm.s32 $0x80;
	s17 =	simm.s32 $0x2800  }
0x6: {  	s18 =	simm.s32 $0x6800;
	s19 =	simm.s32 $0x1;
	s20 =	simm.s32 $0x2  }
0x7: {  	s21 =	simm.s32 $0x0;
	s6 =	smul.u32 $0x14000, s1;
	s7 =	sand.u32 $0x1, s4  }
0x8: {  	[smem:$0x7FF] =	sst s3;
	s4 =	sadd.s32 $0x41200, s5;
	s11 =	sadd.s32 $0x5200, s5  }
0x9: {  	s12 =	sadd.s32 $0xF200, s5;
	s10 =	smul.u32 $0x50000, s1;
	s30 =	sshll.u32 s1, $0x6  }
0xa: {  	s8 =	smul.u32 $0x140000, s7;
	_ =	strace $0x8000004D;
	s24 =	ssub.s32 $0x2, s7  }
0xb: {  	s7 =	sshll.u32 s7, $0x4;
	s9 =	sshrl.u32 s6, $0x3;
	s25 =	sshrl.u32 s24, $0x1  }
0xc: {  	s26 =	sor.u32 s1, s7;
	s28 =	sshrl.u32 s10, $0x2;
	s6 =	sadd.s32 s6, s8  }
0xd: {  	s23 =	sadd.s32 s9, s5;
	s9 =	ssub.s32 s24, s25;
	s29 =	smul.u32 $0x2800, s26  }
0xe: {  	s14 =	sadd.s32 s28, s2;
	s6 =	sshrl.u32 s6, $0x3;
	s8 =	smax.u32 s9, $0x1  }
0xf: {  	s13 =	sadd.s32 s6, s5;
	s5 =	sadd.s32 $0x19200, s23;
	s10 =	sshrl.u32 s29, $0x3  }
0x10: {  	s6 =	sor.u32 $0x1C03, s30;
	s7 =	sadd.s32 $0x68400, s13;
	s9 =	sadd.s32 s11, s10  }
0x11: {  	s31 =	sadd.s32 $0x280, s10;
	s10 =	sadd.s32 s12, s10;
	s13 =	sshrl.u32 s14, $0x3  }
0x12: {  	s14 =	simm.s32 $0x3;
	s11 =	sadd.s32 s11, s31;
	s12 =	sadd.s32 s12, s31  }
.LBB2_1:
0x13: {  	[spmem:s13], [sflag:s6] =	dma.local [hbm:s5], $0x2800  }
0x14: {  	_ =	swait.ge [sflag:s14], $0x2800  }
0x15: {  	[sflag:s14] =	ssyncset.done $0x0  }
0x16: {  	[sflag:s14] =	ssyncadd.s32 $0xFFFFD800  }
0x17: {  	[bflag:$0x0] =	sbarrier.arrive $0xFFFF  }
0x18: {  	[tilespmem:s3], [sflag:$0x3] =	stream.linear.gather [hbm4b:s9+s3], $0x1400, $0x38;
	[tilespmem:$0x1E800] =	vst v63  }
0x19: {  	_ =	swait.ge [sflag:s14], $0x1400  }
0x1a: {  	[sflag:s14] =	ssyncset.done $0x0  }
0x1b: {  	[sflag:s14] =	ssyncadd.s32 $0xFFFFEC00  }
0x1c: {  	[tilespmem:s15], [sflag:$0x3] =	stream.linear.gather [hbm4b:s10+s3], $0x1400, $0x38;
	[tilespmem:$0x1E800] =	vst v63  }
0x1d: {  	_ =	swait.ge [sflag:s14], $0x1400  }
0x1e: {  	[sflag:s14] =	ssyncset.done $0x0  }
0x1f: {  	s22 =	simm.s32 $0x0;
	[sflag:s14] =	ssyncadd.s32 $0xFFFFEC00  }
0x20: {  	[tilespmem:s17], [sflag:$0x1] =	stream.indirect.gather [hbm4b:s4+s16], $0x80, s22, s16, $0xb8;
	[tilespmem:$0x1E800] =	vst v63  }
0x21: {  	s29 =	simm.s32 $0x80  }
0x22: {  	[tilespmem:s18], [sflag:$0x2] =	stream.indirect.gather [hbm4b:s4+s16], $0x80, s29, s16, $0xb8;
	[tilespmem:$0x1E800] =	vst v63  }
0x23: {  	_ =	swait.ge [sflag:s19], $0x4000  }
0x24: {  	[sflag:s19] =	ssyncset.done $0x0  }
0x25: {  	s30 =	simm.s32 $0x1400;
	[sflag:s19] =	ssyncadd.s32 $0xFFFFC000  }
0x26: {  	[spmem:s2] =	stream.indirect.scatter.add.f32 [tilespmem:s17], [sflag:$0x3], $0x80, s30, s16, $0xb8;
	[tilespmem:$0x1E800] =	vst v63  }
0x27: {  	_ =	swait.ge [sflag:s14], $0x4000  }
0x28: {  	[sflag:s14] =	ssyncset.done $0x0  }
0x29: {  	[sflag:s14] =	ssyncadd.s32 $0xFFFFC000  }
0x2a: {  	_ =	swait.ge [sflag:s20], $0x4000  }
0x2b: {  	[sflag:s20] =	ssyncset.done $0x0  }
0x2c: {  	s31 =	simm.s32 $0x1480;
	[sflag:s20] =	ssyncadd.s32 $0xFFFFC000  }
0x2d: {  	[spmem:s2] =	stream.indirect.scatter.add.f32 [tilespmem:s18], [sflag:$0x3], $0x80, s31, s16, $0xb8;
	[tilespmem:$0x1E800] =	vst v63  }
0x2e: {  	_ =	swait.ge [sflag:s14], $0x4000  }
0x2f: {  	s23 =	simm.s32 $0x800;
	s22 =	simm.s32 $0x400;
	[sflag:s14] =	ssyncset.done $0x0  }
.LBB2_2:
0x30: {  	s24 =	sshra.s32 s22, $0x2  }
0x31: {  	[sflag:s14] =	ssyncadd.s32 $0xFFFFC000;
	s22 =	smov.u32 s23;
	s25 =	sadd.s32 $0x400, s23  }
0x32: {  	[tilespmem:s17], [sflag:$0x1] =	stream.indirect.gather [hbm4b:s4+s16], $0x80, s24, s16, $0xb8;
	[tilespmem:$0x1E800] =	vst v63  }
0x33: {  	p0 =	sne.s32 s23, $0x4C00;
	s23 =	sadd.s32 $0x80, s24  }
0x34: {  	[tilespmem:s18], [sflag:$0x2] =	stream.indirect.gather [hbm4b:s4+s16], $0x80, s23, s16, $0xb8;
	[tilespmem:$0x1E800] =	vst v63  }
0x35: {  	_ =	swait.ge [sflag:s19], $0x4000  }
0x36: {  	[sflag:s19] =	ssyncset.done $0x0  }
0x37: {  	s23 =	sadd.s32 $0x1400, s24;
	[sflag:s19] =	ssyncadd.s32 $0xFFFFC000  }
0x38: {  	[spmem:s2] =	stream.indirect.scatter.add.f32 [tilespmem:s17], [sflag:$0x3], $0x80, s23, s16, $0xb8;
	[tilespmem:$0x1E800] =	vst v63  }
0x39: {  	_ =	swait.ge [sflag:s14], $0x4000  }
0x3a: {  	[sflag:s14] =	ssyncset.done $0x0  }
0x3b: {  	[sflag:s14] =	ssyncadd.s32 $0xFFFFC000  }
0x3c: {  	_ =	swait.ge [sflag:s20], $0x4000  }
.Ltmp0:
0x3d: {  	[sflag:s20] =	ssyncset.done $0x0;
	(pc) =	sbr.rel @p0 .LBB2_2-.Ltmp0, $4  }
0x3e: {  	s23 =	sadd.s32 $0x1480, s24;
	[sflag:s20] =	ssyncadd.s32 $0xFFFFC000  }
0x3f: {  	[spmem:s2] =	stream.indirect.scatter.add.f32 [tilespmem:s18], [sflag:$0x3], $0x80, s23, s16, $0xb8;
	[tilespmem:$0x1E800] =	vst v63  }
0x40: {  	_ =	swait.ge [sflag:s14], $0x4000  }
0x41: {  	s23 =	smov.u32 s25;
	[sflag:s14] =	ssyncset.done $0x0  }
0x42: {  	s22 =	sshra.s32 s22, $0x2;
	[sflag:s14] =	ssyncadd.s32 $0xFFFFC000  }
0x43: {  	[tilespmem:s17], [sflag:$0x1] =	stream.indirect.gather [hbm4b:s4+s16], $0x80, s22, s16, $0xb8;
	[tilespmem:$0x1E800] =	vst v63  }
0x44: {  	s23 =	sadd.s32 $0x80, s22  }
0x45: {  	[tilespmem:s18], [sflag:$0x2] =	stream.indirect.gather [hbm4b:s4+s16], $0x80, s23, s16, $0xb8;
	[tilespmem:$0x1E800] =	vst v63  }
0x46: {  	_ =	swait.ge [sflag:s19], $0x4000  }
0x47: {  	[sflag:s19] =	ssyncset.done $0x0  }
0x48: {  	s25 =	sadd.s32 $0x1400, s22;
	[sflag:s19] =	ssyncadd.s32 $0xFFFFC000  }
0x49: {  	[spmem:s2] =	stream.indirect.scatter.add.f32 [tilespmem:s17], [sflag:$0x3], $0x80, s25, s16, $0xb8;
	[tilespmem:$0x1E800] =	vst v63  }
0x4a: {  	_ =	swait.ge [sflag:s14], $0x4000  }
0x4b: {  	[sflag:s14] =	ssyncset.done $0x0  }
0x4c: {  	[sflag:s14] =	ssyncadd.s32 $0xFFFFC000  }
0x4d: {  	_ =	swait.ge [sflag:s20], $0x4000  }
0x4e: {  	[sflag:s20] =	ssyncset.done $0x0  }
0x4f: {  	s22 =	sadd.s32 $0x1480, s22;
	[sflag:s20] =	ssyncadd.s32 $0xFFFFC000  }
0x50: {  	[spmem:s2] =	stream.indirect.scatter.add.f32 [tilespmem:s18], [sflag:$0x3], $0x80, s22, s16, $0xb8;
	[tilespmem:$0x1E800] =	vst v63  }
0x51: {  	_ =	swait.ge [sflag:s14], $0x4000  }
0x52: {  	[sflag:s14] =	ssyncset.done $0x0  }
0x53: {  	s26 =	simm.s32 $0x0;
	[sflag:s14] =	ssyncadd.s32 $0xFFFFC000  }
0x54: {  	[tilespmem:s26], [sflag:$0x3] =	stream.linear.gather [hbm4b:s11+s26], $0x1400, $0x38;
	[tilespmem:$0x1E800] =	vst v63  }
0x55: {  	_ =	swait.ge [sflag:s14], $0x1400  }
0x56: {  	[sflag:s14] =	ssyncset.done $0x0  }
0x57: {  	[sflag:s14] =	ssyncadd.s32 $0xFFFFEC00  }
0x58: {  	[tilespmem:s15], [sflag:$0x3] =	stream.linear.gather [hbm4b:s12+s26], $0x1400, $0x38;
	[tilespmem:$0x1E800] =	vst v63  }
0x59: {  	_ =	swait.ge [sflag:s14], $0x1400  }
0x5a: {  	[sflag:s14] =	ssyncset.done $0x0  }
0x5b: {  	s28 =	simm.s32 $0x0;
	[sflag:s14] =	ssyncadd.s32 $0xFFFFEC00  }
0x5c: {  	[tilespmem:s17], [sflag:$0x1] =	stream.indirect.gather [hbm4b:s4+s16], $0x80, s28, s16, $0xb8;
	[tilespmem:$0x1E800] =	vst v63  }
0x5d: {  	s29 =	simm.s32 $0x80  }
0x5e: {  	[tilespmem:s18], [sflag:$0x2] =	stream.indirect.gather [hbm4b:s4+s16], $0x80, s29, s16, $0xb8;
	[tilespmem:$0x1E800] =	vst v63  }
0x5f: {  	_ =	swait.ge [sflag:s19], $0x4000  }
0x60: {  	[sflag:s19] =	ssyncset.done $0x0  }
0x61: {  	s30 =	simm.s32 $0x1400;
	[sflag:s19] =	ssyncadd.s32 $0xFFFFC000  }
0x62: {  	[spmem:s2] =	stream.indirect.scatter.add.f32 [tilespmem:s17], [sflag:$0x3], $0x80, s30, s16, $0xb8;
	[tilespmem:$0x1E800] =	vst v63  }
0x63: {  	_ =	swait.ge [sflag:s14], $0x4000  }
0x64: {  	[sflag:s14] =	ssyncset.done $0x0  }
0x65: {  	[sflag:s14] =	ssyncadd.s32 $0xFFFFC000  }
0x66: {  	_ =	swait.ge [sflag:s20], $0x4000  }
0x67: {  	[sflag:s20] =	ssyncset.done $0x0  }
0x68: {  	s31 =	simm.s32 $0x1480;
	[sflag:s20] =	ssyncadd.s32 $0xFFFFC000  }
0x69: {  	[spmem:s2] =	stream.indirect.scatter.add.f32 [tilespmem:s18], [sflag:$0x3], $0x80, s31, s16, $0xb8;
	[tilespmem:$0x1E800] =	vst v63  }
0x6a: {  	_ =	swait.ge [sflag:s14], $0x4000  }
0x6b: {  	s23 =	simm.s32 $0x800;
	s22 =	simm.s32 $0x400;
	[sflag:s14] =	ssyncset.done $0x0  }
.LBB2_4:
0x6c: {  	s24 =	sshra.s32 s22, $0x2  }
0x6d: {  	[sflag:s14] =	ssyncadd.s32 $0xFFFFC000;
	s22 =	smov.u32 s23;
	s25 =	sadd.s32 $0x400, s23  }
0x6e: {  	[tilespmem:s17], [sflag:$0x1] =	stream.indirect.gather [hbm4b:s4+s16], $0x80, s24, s16, $0xb8;
	[tilespmem:$0x1E800] =	vst v63  }
0x6f: {  	p0 =	sne.s32 s23, $0x4C00;
	s23 =	sadd.s32 $0x80, s24  }
0x70: {  	[tilespmem:s18], [sflag:$0x2] =	stream.indirect.gather [hbm4b:s4+s16], $0x80, s23, s16, $0xb8;
	[tilespmem:$0x1E800] =	vst v63  }
0x71: {  	_ =	swait.ge [sflag:s19], $0x4000  }
0x72: {  	[sflag:s19] =	ssyncset.done $0x0  }
0x73: {  	s23 =	sadd.s32 $0x1400, s24;
	[sflag:s19] =	ssyncadd.s32 $0xFFFFC000  }
0x74: {  	[spmem:s2] =	stream.indirect.scatter.add.f32 [tilespmem:s17], [sflag:$0x3], $0x80, s23, s16, $0xb8;
	[tilespmem:$0x1E800] =	vst v63  }
0x75: {  	_ =	swait.ge [sflag:s14], $0x4000  }
0x76: {  	[sflag:s14] =	ssyncset.done $0x0  }
0x77: {  	[sflag:s14] =	ssyncadd.s32 $0xFFFFC000  }
0x78: {  	_ =	swait.ge [sflag:s20], $0x4000  }
.Ltmp1:
0x79: {  	[sflag:s20] =	ssyncset.done $0x0;
	(pc) =	sbr.rel @p0 .LBB2_4-.Ltmp1, $4  }
0x7a: {  	s23 =	sadd.s32 $0x1480, s24;
	[sflag:s20] =	ssyncadd.s32 $0xFFFFC000  }
0x7b: {  	[spmem:s2] =	stream.indirect.scatter.add.f32 [tilespmem:s18], [sflag:$0x3], $0x80, s23, s16, $0xb8;
	[tilespmem:$0x1E800] =	vst v63  }
0x7c: {  	_ =	swait.ge [sflag:s14], $0x4000  }
0x7d: {  	s23 =	smov.u32 s25;
	[sflag:s14] =	ssyncset.done $0x0  }
0x7e: {  	s22 =	sshra.s32 s22, $0x2;
	[sflag:s14] =	ssyncadd.s32 $0xFFFFC000  }
0x7f: {  	[tilespmem:s17], [sflag:$0x1] =	stream.indirect.gather [hbm4b:s4+s16], $0x80, s22, s16, $0xb8;
	[tilespmem:$0x1E800] =	vst v63  }
0x80: {  	s23 =	sadd.s32 $0x80, s22  }
0x81: {  	[tilespmem:s18], [sflag:$0x2] =	stream.indirect.gather [hbm4b:s4+s16], $0x80, s23, s16, $0xb8;
	[tilespmem:$0x1E800] =	vst v63  }
0x82: {  	_ =	swait.ge [sflag:s19], $0x4000  }
0x83: {  	[sflag:s19] =	ssyncset.done $0x0  }
0x84: {  	s31 =	sadd.s32 $0x1400, s22;
	[sflag:s19] =	ssyncadd.s32 $0xFFFFC000  }
0x85: {  	[spmem:s2] =	stream.indirect.scatter.add.f32 [tilespmem:s17], [sflag:$0x3], $0x80, s31, s16, $0xb8;
	[tilespmem:$0x1E800] =	vst v63  }
0x86: {  	_ =	swait.ge [sflag:s14], $0x4000  }
0x87: {  	[sflag:s14] =	ssyncset.done $0x0  }
0x88: {  	[sflag:s14] =	ssyncadd.s32 $0xFFFFC000  }
0x89: {  	_ =	swait.ge [sflag:s20], $0x4000  }
0x8a: {  	[sflag:s20] =	ssyncset.done $0x0  }
0x8b: {  	s22 =	sadd.s32 $0x1480, s22;
	[sflag:s20] =	ssyncadd.s32 $0xFFFFC000  }
0x8c: {  	[spmem:s2] =	stream.indirect.scatter.add.f32 [tilespmem:s18], [sflag:$0x3], $0x80, s22, s16, $0xb8;
	[tilespmem:$0x1E800] =	vst v63  }
0x8d: {  	_ =	swait.ge [sflag:s14], $0x4000  }
0x8e: {  	s21 =	sadd.s32 $0x1, s21;
	[sflag:s14] =	ssyncset.done $0x0  }
0x8f: {  	p0 =	sne.s32 s21, s8;
	[sflag:s14] =	ssyncadd.s32 $0xFFFFC000  }
.Ltmp2:
0x90: {  	[bflag:$0x0] =	sbarrier.arrive $0xFFFF;
	(pc) =	sbr.rel @p0 .LBB2_1-.Ltmp2, $4  }
0x91: {  	[hbm:s7], [sflag:s6] =	dma.local [spmem:s13], $0x2800  }
0x92: {  	_ =	swait.ge [sflag:s14], $0x2800  }
0x93: {  	[sflag:s14] =	ssyncset.done $0x0  }
0x94: {  	[sflag:s14] =	ssyncadd.s32 $0xFFFFD800  }
0x95: {  	_ =	sfence.sel $0x180000  }
0x96: {  	[bflag:$0x0] =	sbarrier.arrive $0xFFFF  }
0x97: {  	p0 =	sne.s32 s1, $0x0;
	_ =	strace $0x9000004D  }
0x98: {  	s0 =	sadd.s32 @!p0 $0x100000, s0;
	[bflag:$0x2] =	sbarrier.arrive $0xFFFF  }
0x99: {  	[sflag:s0] =	ssyncadd.tile.s32 @!p0 $0x1;
	_ =	shalt  }
.Lfunc_end2:
_tile_overlayer_lowered:
.L_overlay_start_2:
0x9a: {  	(tag) =	ssettag $0x2  }
0x9b: {  	s0 =	rddreg [dreg:$0x0];
	s2 =	stileid.u32  }
0x9c: {  	s1 =	rddreg [dreg:$0x1];
	p0 =	sne.s32 s2, $0x0  }
0x9d: {  	s3 =	rddreg [dreg:$0x2];
	[bflag:$0x3] =	sbarrier.arrive $0xFFFF;
	s2 =	simm.s32 @!p0 $0x1C03  }
0x9e: {  	[timem:s3], [sflag:s2] =	dma.local @!p0 [hbm:s0], s1  }
0x9f: {  	s0 =	simm.s32 @!p0 $0x3  }
0xa0: {  	_ =	swait.ge @!p0 [sflag:s0], s1  }
0xa1: {  	s1 =	ssub.s32 @!p0 $0x0, s1;
	[sflag:s0] =	ssyncset.done @!p0 $0x0  }
0xa2: {  	[sflag:s0] =	ssyncadd.s32 @!p0 s1  }
0xa3: {  	[bflag:$0x3] =	sbarrier.arrive $0xFFFF  }
0xa4: {  	_ =	shalt  }

// kernel: kernel.8.cloned.1.call-start
scs
__scs_entry_jumppad:
0x0: {  	(pc) =	sbr.rel $0x88, $3  }
0x1: {  	(tag) =	ssettag $0x0;
	lr =	simm.s32 $0x1  }
0x2: {  	[smem:$0x3F80] =	sst lr;
	_ =	strace $0xD0000000  }
0x3: {  	_ = 	snop  }
0x4: {  	_ = 	snop  }
0x5: {  	_ = 	snop  }
0x6: {  	_ = 	snop  }
0x7: {  	_ = 	snop  }
__scs_overlays_trampoline_lowered:
0x8: {  	[smem:$0x3F8F] =	sst s0  }
0x9: {  	[smem:$0x3F90] =	sst s1  }
0xa: {  	[smem:$0x3F91] =	sst s2  }
0xb: {  	[smem:$0x3F92] =	sst s3  }
0xc: {  	[smem:$0x3F93] =	sst s4  }
0xd: {  	[smem:$0x3F94] =	sst s5  }
0xe: {  	[smem:$0x3F95] =	sst s6  }
0xf: {  	[smem:$0x3F96] =	sst s7  }
0x10: {  	[smem:$0x3F97] =	sst s8  }
0x11: {  	[smem:$0x3F98] =	sst s9;
	s0 =	simm.s32 @!p0 $0x0  }
0x12: {  	s1 =	sld [smem:$0x3F7E];
	s0 =	simm.s32 @p0 $0x1  }
0x13: {  	[smem:$0x3F99] =	sst s0;
	s0 =	simm.s32 @!p1 $0x0  }
0x14: {  	s2 =	sld [smem:$0x3F7D];
	s0 =	simm.s32 @p1 $0x1  }
0x15: {  	[smem:$0x3F9A] =	sst s0;
	s0 =	simm.s32 @!p2 $0x0  }
0x16: {  	s3 =	sld [smem:$0x3FDB];
	s0 =	simm.s32 @p2 $0x1  }
0x17: {  	s4 =	simm.s32 $0x1BF5;
	[smem:$0x3F9C] =	sst s0  }
0x18: {  	s0 =	sld [smem:$0x3F7F];
	_ =	swait.ge [sflag:s4], $0x0  }
0x19: {  	s7 =	sld [smem:$0x3F80]  }
0x1a: {  	s8 =	sadd.s32 $0xFFFFE003, lr  }
0x1b: {  	s9 =	sadd.s32 $0xFFFFFEF7, lr;
	s5 =	simm.s32 $0xFFFFFFFF;
	p2 =	slt.u32 s8, $0xFFFFF086  }
0x1c: {  	p1 =	slt.u32 s9, $0xF7A;
	s5 =	simm.s32 @!p2 $0x0  }
0x1d: {  	s5 =	simm.s32 @p1 $0x1;
	p0 =	seq.s32 s7, s2  }
0x1e: {  	s7 =	smul.u32 @!p0 $0xF7A, s2;
	p2 =	seq.s32 @!p0 s5, $0x0  }
0x1f: {  	s9 =	smul.u32 $0xF7A, s1;
	s8 =	simm.s32 @!p0 $0x1BF5;
	p2 =	por !p2, p0  }
0x20: {  	[sflag:s8] =	ssyncset.s32 @!p0 $0xFFFFF086;
	s6 =	sadd.s32 @!p0 s3, s7;
	s7 =	simm.s32 @!p0 $0x108  }
0x21: {  	s3 =	sadd.s32 s3, s9;
	s6 =	sadd.s32 @!p0 $0x88, s6;
	s7 =	simm.s32 @p2 $0x1082  }
0x22: {  	[simem:s7], [sflag:s8] =	dma.local @!p0 [hbm:s6], $0xF7A  }
0x23: {  	s9 =	sor.u32 $0xD0000000, s2;
	s6 =	simm.s32 $0x108;
	_ =	swait.ge @!p0 [sflag:s8], $0x0  }
0x24: {  	s3 =	sadd.s32 $0x88, s3;
	s6 =	simm.s32 @!p1 $0x1082;
	[sflag:s4] =	ssyncset.s32 $0xFFFFF086  }
0x25: {  	[simem:s6], [sflag:s4] =	dma.local [hbm:s3], $0xF7A  }
0x26: {  	[smem:$0x3F80] =	sst s1;
	(tag) =	ssettag s2;
	_ =	strace s9  }
0x27: {  	s1 =	sld [smem:$0x3F90]  }
0x28: {  	s2 =	sld [smem:$0x3F91]  }
0x29: {  	s4 =	sld [smem:$0x3F93]  }
0x2a: {  	p0 =	seq.s32 s5, $0x0;
	s5 =	sld [smem:$0x3F94]  }
0x2b: {  	s6 =	sld [smem:$0x3F95]  }
0x2c: {  	s7 =	sld [smem:$0x3F96]  }
0x2d: {  	s3 =	simm.s32 $0x108;
	s8 =	sld [smem:$0x3F97]  }
0x2e: {  	s3 =	simm.s32 @!p0 $0x1082;
	s9 =	sld [smem:$0x3F98]  }
0x2f: {  	lr =	sadd.s32 s0, s3;
	s0 =	sld [smem:$0x3F8F]  }
0x30: {  	s3 =	sld [smem:$0x3F92]  }
0x31: {  	[smem:$0x3F9B] =	sst s10  }
0x32: {  	s10 =	sld [smem:$0x3F99];
	_ =	sdelay $0x3  }
0x33: {  	p0 =	seq.s32 s10, $0x1;
	s10 =	sld [smem:$0x3F9B];
	_ =	sdelay $0x3  }
0x34: {  	[smem:$0x3F9B] =	sst s10  }
0x35: {  	s10 =	sld [smem:$0x3F9A];
	_ =	sdelay $0x3  }
0x36: {  	p1 =	seq.s32 s10, $0x1;
	s10 =	sld [smem:$0x3F9B];
	_ =	sdelay $0x3  }
0x37: {  	[smem:$0x3F9B] =	sst s10  }
0x38: {  	s10 =	sld [smem:$0x3F9C]  }
0x39: {  	_ = 	snop;
	(pc) =	sbr.ind lr, $3  }
0x3a: {  	_ = 	snop  }
0x3b: {  	_ = 	snop  }
0x3c: {  	p2 =	seq.s32 s10, $0x1;
	s10 =	sld [smem:$0x3F9B]  }
0x3d: {  	_ =	shalt  }
0x3e: {  	_ =	shalt  }
0x3f: {  	_ =	shalt  }
0x40: {  	_ =	shalt  }
0x41: {  	_ =	shalt  }
0x42: {  	_ =	shalt  }
0x43: {  	_ =	shalt  }
0x44: {  	_ =	shalt  }
0x45: {  	_ =	shalt  }
0x46: {  	_ =	shalt  }
0x47: {  	_ =	shalt  }
0x48: {  	_ =	shalt  }
0x49: {  	_ =	shalt  }
0x4a: {  	_ =	shalt  }
0x4b: {  	_ =	shalt  }
0x4c: {  	_ =	shalt  }
0x4d: {  	_ =	shalt  }
0x4e: {  	_ =	shalt  }
0x4f: {  	_ =	shalt  }
0x50: {  	_ =	shalt  }
0x51: {  	_ =	shalt  }
0x52: {  	_ =	shalt  }
0x53: {  	_ =	shalt  }
0x54: {  	_ =	shalt  }
0x55: {  	_ =	shalt  }
0x56: {  	_ =	shalt  }
0x57: {  	_ =	shalt  }
0x58: {  	_ =	shalt  }
0x59: {  	_ =	shalt  }
0x5a: {  	_ =	shalt  }
0x5b: {  	_ =	shalt  }
0x5c: {  	_ =	shalt  }
0x5d: {  	_ =	shalt  }
0x5e: {  	_ =	shalt  }
0x5f: {  	_ =	shalt  }
0x60: {  	_ =	shalt  }
0x61: {  	_ =	shalt  }
0x62: {  	_ =	shalt  }
0x63: {  	_ =	shalt  }
0x64: {  	_ =	shalt  }
0x65: {  	_ =	shalt  }
0x66: {  	_ =	shalt  }
0x67: {  	_ =	shalt  }
0x68: {  	_ =	shalt  }
0x69: {  	_ =	shalt  }
0x6a: {  	_ =	shalt  }
0x6b: {  	_ =	shalt  }
0x6c: {  	_ =	shalt  }
0x6d: {  	_ =	shalt  }
0x6e: {  	_ =	shalt  }
0x6f: {  	_ =	shalt  }
0x70: {  	_ =	shalt  }
0x71: {  	_ =	shalt  }
0x72: {  	_ =	shalt  }
0x73: {  	_ =	shalt  }
0x74: {  	_ =	shalt  }
0x75: {  	_ =	shalt  }
0x76: {  	_ =	shalt  }
0x77: {  	_ =	shalt  }
0x78: {  	_ =	shalt  }
0x79: {  	_ =	shalt  }
0x7a: {  	_ =	shalt  }
0x7b: {  	_ =	shalt  }
0x7c: {  	_ =	shalt  }
0x7d: {  	_ =	shalt  }
0x7e: {  	_ =	shalt  }
0x7f: {  	_ =	shalt  }
0x80: {  	_ =	shalt  }
0x81: {  	_ =	shalt  }
0x82: {  	_ =	shalt  }
0x83: {  	_ =	shalt  }
0x84: {  	_ =	shalt  }
0x85: {  	_ =	shalt  }
0x86: {  	_ =	shalt  }
0x87: {  	_ =	shalt  }
.Lfunc_end0:
.L_simem_size_0:
called_computation_lowered:
.L_overlay_start_0:
0x88: {  	s2 =	sld [smem:$0x3FD9]  }
0x89: {  	s3 =	sld [smem:$0x3FFE];
	_ =	sdelay $0x1  }
0x8a: {  	s1 =	srdreg.scid  }
0x8b: {  	s0 =	sand.u32 $0x1, s1  }
0x8c: {  	s17 =	sshll.u32 s0, $0xA;
	s2 =	sadd.s32 s3, s2  }
0x8d: {  	s2 =	sadd.s32 s2, s17  }
0x8e: {  	[smem:$0x3FA7] =	sst s2  }
0x8f: {  	_ = 	snop  }
0x90: {  	s2 =	sld [smem:$0x3FC9];
	(tm) =	ssettm $0x1  }
0x91: {  	s18 =	sld [smem:$0x3FFB];
	_ =	sdelay $0x3  }
0x92: {  	_ =	strace s18  }
0x93: {  	s3 =	sld [smem:$0x3FFC];
	_ =	sdelay $0x3  }
0x94: {  	_ =	strace s3  }
0x95: {  	s3 =	sld [smem:$0x3FFD];
	_ =	sdelay $0x3  }
0x96: {  	_ =	strace s3  }
0x97: {  	_ =	strace $0x8FFFFFFF  }
0x98: {  	s19 =	sld [smem:$0x3FDB];
	_ =	sdelay $0x1  }
0x99: {  	s4 =	simm.s32 $_scs_section_size  }
0x9a: {  	s5 =	simm.s32 $_size__tile_overlayer_lowered;
	s6 =	simm.s32 $_tile_overlayer_lowered  }
0x9b: {  	s22 =	simm.s32 $0x1BFF;
	s21 =	sshll.u32 s6, $0x1;
	s3 =	sadd.s32 s4, s19  }
0x9c: {  	s7 =	simm.s32 $0x0;
	s20 =	sshll.u32 s5, $0x1;
	s5 =	sadd.s32 s21, s3  }
0x9d: {  	[timem:s7], [sflag:s22] =	dma.local [hbm:s5], s20  }
0x9e: {  	_ =	swait.ge [sflag:s22], s20  }
0x9f: {  	s4 =	ssub.s32 $0x0, s20;
	[sflag:s22] =	ssyncset.done $0x0  }
0xa0: {  	[sflag:s22] =	ssyncadd.s32 s4;
	_ =	sdelay $0x1  }
0xa1: {  	s23 =	simm.s32 $0x1B8B  }
0xa2: {  	_ =	swait.ge [sflag:s23], $0x1  }
0xa3: {  	[sflag:s23] =	ssyncset.done $0x0  }
0xa4: {  	s25 =	simm.s32 $0x1B8E;
	s24 =	sld [smem:$0x3FFE];
	[sflag:s23] =	ssyncadd.s32 $0xFFFFFFFF  }
0xa5: {  	s26 =	simm.s32 $execute0_lowered;
	[smem:$0x3FD2] =	sst s25  }
0xa6: {  	s5 =	sshll.u32 s26, $0x1;
	_ =	strace $0x80000046;
	[dreg:$0x1] =	wrdreg $0xFFFFFFFF  }
0xa7: {  	s28 =	simm.s32 $_size_execute0_lowered;
	s3 =	sadd.s32 s3, s5;
	[dreg:$0x0] =	wrdreg $0x0  }
0xa8: {  	s5 =	sshll.u32 s28, $0x1;
	[dreg:$0x2] =	wrdreg s3  }
0xa9: {  	[dreg:$0x3] =	wrdreg s5  }
0xaa: {  	[dreg:$0x4] =	wrdreg $0xC0  }
0xab: {  	_ =	task [dreg:s7], $0x5FFFF  }
0xac: {  	[dreg:$0x1] =	wrdreg $0xFFFFFFFF  }
0xad: {  	[dreg:$0x0] =	wrdreg $0x60  }
0xae: {  	[dreg:$0x2] =	wrdreg s2  }
0xaf: {  	[dreg:$0x3] =	wrdreg s24  }
0xb0: {  	[dreg:$0x4] =	wrdreg $0xA8000  }
0xb1: {  	[dreg:$0x5] =	wrdreg $0x9  }
0xb2: {  	_ =	task.clear_ibuf [dreg:s7], $0x6FFFF;
	_ =	strace $0x90000046  }
0xb3: {  	s29 =	simm.s32 $0x9;
	_ =	strace $0x80000048  }
0xb4: {  	_ =	swait.ge [sflag:s29], $0x1  }
0xb5: {  	[sflag:s29] =	ssyncadd.s32 $0xFFFFFFFF  }
0xb6: {  	_ =	strace $0x90000048  }
0xb7: {  	_ =	sfence  }
0xb8: {  	s30 =	sld [smem:$0x0];
	_ =	sdelay $0x2  }
0xb9: {  	s31 =	sshll.u32 s1, $0xD;
	s1 =	sshrl.u32 s1, $0x2  }
0xba: {  	s3 =	sand.u32 $0x4000, s31;
	s1 =	sadd.s32 s1, s30  }
0xbb: {  	s0 =	sor.u32 s3, s0;
	s1 =	sshll.u32 s1, $0x11  }
0xbc: {  	s0 =	sor.u32 s1, s0  }
0xbd: {  	s0 =	sadd.s32 $0x8F2B, s0  }
0xbe: {  	[sflag:s0] =	ssyncadd.remote.s32 $0x1  }
0xbf: {  	_ =	sfence.sel $0xFFFF  }
0xc0: {  	[dreg:$0x0] =	wrdreg $0xFFFFFFFF;
	(pc) =	sbr.abs _section_cstart, $3  }
0xc1: {  	[dreg:$0x1] =	wrdreg $0xFFFFFFFF  }
0xc2: {  	_ =	task.clear_ibuf [dreg:s7], $0x2FFFF;
	_ =	strace $0x9FFFFFFF  }
0xc3: {  	(tm) =	ssettm $0x7FFFFFFF  }
tec
execute0_lowered:
.L_overlay_start_1:
0x0: {  	(tag) =	ssettag $0x1  }
0x1: {  	s2 =	rddreg [dreg:$0x0]  }
0x2: {  	s5 =	rddreg [dreg:$0x1]  }
0x3: {  	s3 =	rddreg [dreg:$0x2]  }
0x4: {  	s0 =	rddreg [dreg:$0x3]  }
0x5: {  	s1 =	stileid.u32;
	s6 =	srdreg.scid  }
0x6: {  	s4 =	simm.s32 $0x0;
	s15 =	simm.s32 $0x1400;
	s16 =	simm.s32 $0x80  }
0x7: {  	s17 =	simm.s32 $0x2800;
	s18 =	simm.s32 $0x6800;
	s19 =	simm.s32 $0x1  }
0x8: {  	s20 =	simm.s32 $0x2;
	s21 =	simm.s32 $0x0;
	s7 =	smul.u32 $0x14000, s1  }
0x9: {  	s6 =	sand.u32 $0x1, s6;
	[smem:$0x7FF] =	sst s4;
	s11 =	sadd.s32 $0x5200, s5  }
0xa: {  	s12 =	sadd.s32 $0xF200, s5;
	s10 =	smul.u32 $0x50000, s1;
	s31 =	sshll.u32 s1, $0x6  }
0xb: {  	s8 =	smul.u32 $0x140000, s6;
	_ =	strace $0x80000047;
	s26 =	ssub.s32 $0x2, s6  }
0xc: {  	s6 =	sshll.u32 s6, $0x4;
	s9 =	sshrl.u32 s7, $0x3;
	s28 =	sshrl.u32 s26, $0x1  }
0xd: {  	s6 =	sor.u32 s1, s6;
	s29 =	sshrl.u32 s10, $0x2;
	s7 =	sadd.s32 s7, s8  }
0xe: {  	s25 =	sadd.s32 s9, s5;
	s9 =	ssub.s32 s26, s28;
	s30 =	smul.u32 $0x2800, s6  }
0xf: {  	s13 =	sadd.s32 s29, s3;
	s6 =	sor.u32 $0x1C03, s31;
	s7 =	sshrl.u32 s7, $0x3  }
0x10: {  	s8 =	smax.u32 s9, $0x1;
	s13 =	sshrl.u32 s13, $0x3;
	s7 =	sadd.s32 s7, s5  }
0x11: {  	s5 =	sadd.s32 $0x19200, s25;
	s10 =	sshrl.u32 s30, $0x3;
	s7 =	sadd.s32 $0x41200, s7  }
0x12: {  	s9 =	sadd.s32 s11, s10;
	s14 =	sadd.s32 $0x280, s10;
	s10 =	sadd.s32 s12, s10  }
0x13: {  	s11 =	sadd.s32 s11, s14;
	s12 =	sadd.s32 s12, s14;
	s14 =	simm.s32 $0x3  }
.LBB2_1:
0x14: {  	[spmem:s13], [sflag:s6] =	dma.local [hbm:s5], $0x2800  }
0x15: {  	_ =	swait.ge [sflag:s14], $0x2800  }
0x16: {  	[sflag:s14] =	ssyncset.done $0x0  }
0x17: {  	[sflag:s14] =	ssyncadd.s32 $0xFFFFD800  }
0x18: {  	[bflag:$0x0] =	sbarrier.arrive $0xFFFF  }
0x19: {  	[tilespmem:s4], [sflag:$0x3] =	stream.linear.gather [hbm4b:s9+s4], $0x1400, $0x38;
	[tilespmem:$0x1E800] =	vst v63  }
0x1a: {  	_ =	swait.ge [sflag:s14], $0x1400  }
0x1b: {  	[sflag:s14] =	ssyncset.done $0x0  }
0x1c: {  	[sflag:s14] =	ssyncadd.s32 $0xFFFFEC00  }
0x1d: {  	[tilespmem:s15], [sflag:$0x3] =	stream.linear.gather [hbm4b:s10+s4], $0x1400, $0x38;
	[tilespmem:$0x1E800] =	vst v63  }
0x1e: {  	_ =	swait.ge [sflag:s14], $0x1400  }
0x1f: {  	[sflag:s14] =	ssyncset.done $0x0  }
0x20: {  	s22 =	simm.s32 $0x0;
	[sflag:s14] =	ssyncadd.s32 $0xFFFFEC00  }
0x21: {  	[tilespmem:s17], [sflag:$0x1] =	stream.indirect.gather [hbm4b:s2+s16], $0x80, s22, s16, $0xb8;
	[tilespmem:$0x1E800] =	vst v63  }
0x22: {  	s29 =	simm.s32 $0x80  }
0x23: {  	[tilespmem:s18], [sflag:$0x2] =	stream.indirect.gather [hbm4b:s2+s16], $0x80, s29, s16, $0xb8;
	[tilespmem:$0x1E800] =	vst v63  }
0x24: {  	_ =	swait.ge [sflag:s19], $0x4000  }
0x25: {  	[sflag:s19] =	ssyncset.done $0x0  }
0x26: {  	s30 =	simm.s32 $0x1400;
	[sflag:s19] =	ssyncadd.s32 $0xFFFFC000  }
0x27: {  	[spmem:s3] =	stream.indirect.scatter.add.f32 [tilespmem:s17], [sflag:$0x3], $0x80, s30, s16, $0xb8;
	[tilespmem:$0x1E800] =	vst v63  }
0x28: {  	_ =	swait.ge [sflag:s14], $0x4000  }
0x29: {  	[sflag:s14] =	ssyncset.done $0x0  }
0x2a: {  	[sflag:s14] =	ssyncadd.s32 $0xFFFFC000  }
0x2b: {  	_ =	swait.ge [sflag:s20], $0x4000  }
0x2c: {  	[sflag:s20] =	ssyncset.done $0x0  }
0x2d: {  	s31 =	simm.s32 $0x1480;
	[sflag:s20] =	ssyncadd.s32 $0xFFFFC000  }
0x2e: {  	[spmem:s3] =	stream.indirect.scatter.add.f32 [tilespmem:s18], [sflag:$0x3], $0x80, s31, s16, $0xb8;
	[tilespmem:$0x1E800] =	vst v63  }
0x2f: {  	_ =	swait.ge [sflag:s14], $0x4000  }
0x30: {  	s23 =	simm.s32 $0x800;
	s22 =	simm.s32 $0x400;
	[sflag:s14] =	ssyncset.done $0x0  }
.LBB2_2:
0x31: {  	s24 =	sshra.s32 s22, $0x2  }
0x32: {  	[sflag:s14] =	ssyncadd.s32 $0xFFFFC000;
	s22 =	smov.u32 s23;
	s25 =	sadd.s32 $0x400, s23  }
0x33: {  	[tilespmem:s17], [sflag:$0x1] =	stream.indirect.gather [hbm4b:s2+s16], $0x80, s24, s16, $0xb8;
	[tilespmem:$0x1E800] =	vst v63  }
0x34: {  	p0 =	sne.s32 s23, $0x4C00;
	s23 =	sadd.s32 $0x80, s24  }
0x35: {  	[tilespmem:s18], [sflag:$0x2] =	stream.indirect.gather [hbm4b:s2+s16], $0x80, s23, s16, $0xb8;
	[tilespmem:$0x1E800] =	vst v63  }
0x36: {  	_ =	swait.ge [sflag:s19], $0x4000  }
0x37: {  	[sflag:s19] =	ssyncset.done $0x0  }
0x38: {  	s23 =	sadd.s32 $0x1400, s24;
	[sflag:s19] =	ssyncadd.s32 $0xFFFFC000  }
0x39: {  	[spmem:s3] =	stream.indirect.scatter.add.f32 [tilespmem:s17], [sflag:$0x3], $0x80, s23, s16, $0xb8;
	[tilespmem:$0x1E800] =	vst v63  }
0x3a: {  	_ =	swait.ge [sflag:s14], $0x4000  }
0x3b: {  	[sflag:s14] =	ssyncset.done $0x0  }
0x3c: {  	[sflag:s14] =	ssyncadd.s32 $0xFFFFC000  }
0x3d: {  	_ =	swait.ge [sflag:s20], $0x4000  }
.Ltmp0:
0x3e: {  	[sflag:s20] =	ssyncset.done $0x0;
	(pc) =	sbr.rel @p0 .LBB2_2-.Ltmp0, $4  }
0x3f: {  	s23 =	sadd.s32 $0x1480, s24;
	[sflag:s20] =	ssyncadd.s32 $0xFFFFC000  }
0x40: {  	[spmem:s3] =	stream.indirect.scatter.add.f32 [tilespmem:s18], [sflag:$0x3], $0x80, s23, s16, $0xb8;
	[tilespmem:$0x1E800] =	vst v63  }
0x41: {  	_ =	swait.ge [sflag:s14], $0x4000  }
0x42: {  	s23 =	smov.u32 s25;
	[sflag:s14] =	ssyncset.done $0x0  }
0x43: {  	s22 =	sshra.s32 s22, $0x2;
	[sflag:s14] =	ssyncadd.s32 $0xFFFFC000  }
0x44: {  	[tilespmem:s17], [sflag:$0x1] =	stream.indirect.gather [hbm4b:s2+s16], $0x80, s22, s16, $0xb8;
	[tilespmem:$0x1E800] =	vst v63  }
0x45: {  	s23 =	sadd.s32 $0x80, s22  }
0x46: {  	[tilespmem:s18], [sflag:$0x2] =	stream.indirect.gather [hbm4b:s2+s16], $0x80, s23, s16, $0xb8;
	[tilespmem:$0x1E800] =	vst v63  }
0x47: {  	_ =	swait.ge [sflag:s19], $0x4000  }
0x48: {  	[sflag:s19] =	ssyncset.done $0x0  }
0x49: {  	s25 =	sadd.s32 $0x1400, s22;
	[sflag:s19] =	ssyncadd.s32 $0xFFFFC000  }
0x4a: {  	[spmem:s3] =	stream.indirect.scatter.add.f32 [tilespmem:s17], [sflag:$0x3], $0x80, s25, s16, $0xb8;
	[tilespmem:$0x1E800] =	vst v63  }
0x4b: {  	_ =	swait.ge [sflag:s14], $0x4000  }
0x4c: {  	[sflag:s14] =	ssyncset.done $0x0  }
0x4d: {  	[sflag:s14] =	ssyncadd.s32 $0xFFFFC000  }
0x4e: {  	_ =	swait.ge [sflag:s20], $0x4000  }
0x4f: {  	[sflag:s20] =	ssyncset.done $0x0  }
0x50: {  	s22 =	sadd.s32 $0x1480, s22;
	[sflag:s20] =	ssyncadd.s32 $0xFFFFC000  }
0x51: {  	[spmem:s3] =	stream.indirect.scatter.add.f32 [tilespmem:s18], [sflag:$0x3], $0x80, s22, s16, $0xb8;
	[tilespmem:$0x1E800] =	vst v63  }
0x52: {  	_ =	swait.ge [sflag:s14], $0x4000  }
0x53: {  	[sflag:s14] =	ssyncset.done $0x0  }
0x54: {  	s26 =	simm.s32 $0x0;
	[sflag:s14] =	ssyncadd.s32 $0xFFFFC000  }
0x55: {  	[tilespmem:s26], [sflag:$0x3] =	stream.linear.gather [hbm4b:s11+s26], $0x1400, $0x38;
	[tilespmem:$0x1E800] =	vst v63  }
0x56: {  	_ =	swait.ge [sflag:s14], $0x1400  }
0x57: {  	[sflag:s14] =	ssyncset.done $0x0  }
0x58: {  	[sflag:s14] =	ssyncadd.s32 $0xFFFFEC00  }
0x59: {  	[tilespmem:s15], [sflag:$0x3] =	stream.linear.gather [hbm4b:s12+s26], $0x1400, $0x38;
	[tilespmem:$0x1E800] =	vst v63  }
0x5a: {  	_ =	swait.ge [sflag:s14], $0x1400  }
0x5b: {  	[sflag:s14] =	ssyncset.done $0x0  }
0x5c: {  	s28 =	simm.s32 $0x0;
	[sflag:s14] =	ssyncadd.s32 $0xFFFFEC00  }
0x5d: {  	[tilespmem:s17], [sflag:$0x1] =	stream.indirect.gather [hbm4b:s2+s16], $0x80, s28, s16, $0xb8;
	[tilespmem:$0x1E800] =	vst v63  }
0x5e: {  	s29 =	simm.s32 $0x80  }
0x5f: {  	[tilespmem:s18], [sflag:$0x2] =	stream.indirect.gather [hbm4b:s2+s16], $0x80, s29, s16, $0xb8;
	[tilespmem:$0x1E800] =	vst v63  }
0x60: {  	_ =	swait.ge [sflag:s19], $0x4000  }
0x61: {  	[sflag:s19] =	ssyncset.done $0x0  }
0x62: {  	s30 =	simm.s32 $0x1400;
	[sflag:s19] =	ssyncadd.s32 $0xFFFFC000  }
0x63: {  	[spmem:s3] =	stream.indirect.scatter.add.f32 [tilespmem:s17], [sflag:$0x3], $0x80, s30, s16, $0xb8;
	[tilespmem:$0x1E800] =	vst v63  }
0x64: {  	_ =	swait.ge [sflag:s14], $0x4000  }
0x65: {  	[sflag:s14] =	ssyncset.done $0x0  }
0x66: {  	[sflag:s14] =	ssyncadd.s32 $0xFFFFC000  }
0x67: {  	_ =	swait.ge [sflag:s20], $0x4000  }
0x68: {  	[sflag:s20] =	ssyncset.done $0x0  }
0x69: {  	s31 =	simm.s32 $0x1480;
	[sflag:s20] =	ssyncadd.s32 $0xFFFFC000  }
0x6a: {  	[spmem:s3] =	stream.indirect.scatter.add.f32 [tilespmem:s18], [sflag:$0x3], $0x80, s31, s16, $0xb8;
	[tilespmem:$0x1E800] =	vst v63  }
0x6b: {  	_ =	swait.ge [sflag:s14], $0x4000  }
0x6c: {  	s23 =	simm.s32 $0x800;
	s22 =	simm.s32 $0x400;
	[sflag:s14] =	ssyncset.done $0x0  }
.LBB2_4:
0x6d: {  	s24 =	sshra.s32 s22, $0x2  }
0x6e: {  	[sflag:s14] =	ssyncadd.s32 $0xFFFFC000;
	s22 =	smov.u32 s23;
	s25 =	sadd.s32 $0x400, s23  }
0x6f: {  	[tilespmem:s17], [sflag:$0x1] =	stream.indirect.gather [hbm4b:s2+s16], $0x80, s24, s16, $0xb8;
	[tilespmem:$0x1E800] =	vst v63  }
0x70: {  	p0 =	sne.s32 s23, $0x4C00;
	s23 =	sadd.s32 $0x80, s24  }
0x71: {  	[tilespmem:s18], [sflag:$0x2] =	stream.indirect.gather [hbm4b:s2+s16], $0x80, s23, s16, $0xb8;
	[tilespmem:$0x1E800] =	vst v63  }
0x72: {  	_ =	swait.ge [sflag:s19], $0x4000  }
0x73: {  	[sflag:s19] =	ssyncset.done $0x0  }
0x74: {  	s23 =	sadd.s32 $0x1400, s24;
	[sflag:s19] =	ssyncadd.s32 $0xFFFFC000  }
0x75: {  	[spmem:s3] =	stream.indirect.scatter.add.f32 [tilespmem:s17], [sflag:$0x3], $0x80, s23, s16, $0xb8;
	[tilespmem:$0x1E800] =	vst v63  }
0x76: {  	_ =	swait.ge [sflag:s14], $0x4000  }
0x77: {  	[sflag:s14] =	ssyncset.done $0x0  }
0x78: {  	[sflag:s14] =	ssyncadd.s32 $0xFFFFC000  }
0x79: {  	_ =	swait.ge [sflag:s20], $0x4000  }
.Ltmp1:
0x7a: {  	[sflag:s20] =	ssyncset.done $0x0;
	(pc) =	sbr.rel @p0 .LBB2_4-.Ltmp1, $4  }
0x7b: {  	s23 =	sadd.s32 $0x1480, s24;
	[sflag:s20] =	ssyncadd.s32 $0xFFFFC000  }
0x7c: {  	[spmem:s3] =	stream.indirect.scatter.add.f32 [tilespmem:s18], [sflag:$0x3], $0x80, s23, s16, $0xb8;
	[tilespmem:$0x1E800] =	vst v63  }
0x7d: {  	_ =	swait.ge [sflag:s14], $0x4000  }
0x7e: {  	s23 =	smov.u32 s25;
	[sflag:s14] =	ssyncset.done $0x0  }
0x7f: {  	s22 =	sshra.s32 s22, $0x2;
	[sflag:s14] =	ssyncadd.s32 $0xFFFFC000  }
0x80: {  	[tilespmem:s17], [sflag:$0x1] =	stream.indirect.gather [hbm4b:s2+s16], $0x80, s22, s16, $0xb8;
	[tilespmem:$0x1E800] =	vst v63  }
0x81: {  	s23 =	sadd.s32 $0x80, s22  }
0x82: {  	[tilespmem:s18], [sflag:$0x2] =	stream.indirect.gather [hbm4b:s2+s16], $0x80, s23, s16, $0xb8;
	[tilespmem:$0x1E800] =	vst v63  }
0x83: {  	_ =	swait.ge [sflag:s19], $0x4000  }
0x84: {  	[sflag:s19] =	ssyncset.done $0x0  }
0x85: {  	s31 =	sadd.s32 $0x1400, s22;
	[sflag:s19] =	ssyncadd.s32 $0xFFFFC000  }
0x86: {  	[spmem:s3] =	stream.indirect.scatter.add.f32 [tilespmem:s17], [sflag:$0x3], $0x80, s31, s16, $0xb8;
	[tilespmem:$0x1E800] =	vst v63  }
0x87: {  	_ =	swait.ge [sflag:s14], $0x4000  }
0x88: {  	[sflag:s14] =	ssyncset.done $0x0  }
0x89: {  	[sflag:s14] =	ssyncadd.s32 $0xFFFFC000  }
0x8a: {  	_ =	swait.ge [sflag:s20], $0x4000  }
0x8b: {  	[sflag:s20] =	ssyncset.done $0x0  }
0x8c: {  	s22 =	sadd.s32 $0x1480, s22;
	[sflag:s20] =	ssyncadd.s32 $0xFFFFC000  }
0x8d: {  	[spmem:s3] =	stream.indirect.scatter.add.f32 [tilespmem:s18], [sflag:$0x3], $0x80, s22, s16, $0xb8;
	[tilespmem:$0x1E800] =	vst v63  }
0x8e: {  	_ =	swait.ge [sflag:s14], $0x4000  }
0x8f: {  	s21 =	sadd.s32 $0x1, s21;
	[sflag:s14] =	ssyncset.done $0x0  }
0x90: {  	p0 =	sne.s32 s21, s8;
	[sflag:s14] =	ssyncadd.s32 $0xFFFFC000  }
.Ltmp2:
0x91: {  	[bflag:$0x0] =	sbarrier.arrive $0xFFFF;
	(pc) =	sbr.rel @p0 .LBB2_1-.Ltmp2, $4  }
0x92: {  	[hbm:s7], [sflag:s6] =	dma.local [spmem:s13], $0x2800  }
0x93: {  	_ =	swait.ge [sflag:s14], $0x2800  }
0x94: {  	[sflag:s14] =	ssyncset.done $0x0  }
0x95: {  	[sflag:s14] =	ssyncadd.s32 $0xFFFFD800  }
0x96: {  	_ =	sfence.sel $0x180000  }
0x97: {  	[bflag:$0x0] =	sbarrier.arrive $0xFFFF  }
0x98: {  	p0 =	sne.s32 s1, $0x0;
	_ =	strace $0x90000047  }
0x99: {  	s0 =	sadd.s32 @!p0 $0x100000, s0;
	[bflag:$0x2] =	sbarrier.arrive $0xFFFF  }
0x9a: {  	[sflag:s0] =	ssyncadd.tile.s32 @!p0 $0x1;
	_ =	shalt  }
.Lfunc_end2:
_tile_overlayer_lowered:
.L_overlay_start_2:
0x9b: {  	(tag) =	ssettag $0x2  }
0x9c: {  	s0 =	rddreg [dreg:$0x0];
	s2 =	stileid.u32  }
0x9d: {  	s1 =	rddreg [dreg:$0x1];
	p0 =	sne.s32 s2, $0x0  }
0x9e: {  	s3 =	rddreg [dreg:$0x2];
	[bflag:$0x3] =	sbarrier.arrive $0xFFFF;
	s2 =	simm.s32 @!p0 $0x1C03  }
0x9f: {  	[timem:s3], [sflag:s2] =	dma.local @!p0 [hbm:s0], s1  }
0xa0: {  	s0 =	simm.s32 @!p0 $0x3  }
0xa1: {  	_ =	swait.ge @!p0 [sflag:s0], s1  }
0xa2: {  	s1 =	ssub.s32 @!p0 $0x0, s1;
	[sflag:s0] =	ssyncset.done @!p0 $0x0  }
0xa3: {  	[sflag:s0] =	ssyncadd.s32 @!p0 s1  }
0xa4: {  	[bflag:$0x3] =	sbarrier.arrive $0xFFFF  }
0xa5: {  	_ =	shalt  }

</sc_bundles>
